<compile_context>
chip_gen: v7x
topology: tpu7x:2x2x1
jax: 0.10.2.dev20260603
libtpu: 0.0.44.dev20260713+nightly
codegen_flags: <defaults>
</compile_context>

<pallas_src>
import functools

import jax
import jax.numpy as jnp
from jax import lax
from jax.experimental import pallas as pl
from jax.experimental.pallas import tpu as pltpu
from jax.experimental.pallas import tpu_sc as plsc

B = 4
C = 2048
S = 4096
K = 65
NH = 5
BLK = 1024


def _pos_from_key(key):
    kidx = lax.broadcasted_iota(jnp.int32, (2 * NH, S), 0)
    oh = (kidx == key).astype(jnp.float32)
    inc = oh
    d = 1
    while d < S:
        shifted = jnp.concatenate(
            [jnp.zeros((2 * NH, d), jnp.float32), inc[:, : S - d]], axis=1)
        inc = inc + shifted
        d *= 2
    exc = inc - oh
    totals = inc[:, S - 1 : S]
    inc10 = totals
    d = 1
    while d < 2 * NH:
        shifted = jnp.concatenate(
            [jnp.zeros((d, 1), jnp.float32), inc10[: 2 * NH - d, :]], axis=0)
        inc10 = inc10 + shifted
        d *= 2
    offs = inc10 - totals
    posf = jnp.sum(oh * (exc + offs), axis=0, keepdims=True)
    return posf.astype(jnp.int32)


def _hashpos_body(x_ref, r_ref, pos_ref, keybuf_ref):
    j = pl.program_id(1)
    xb = x_ref[0]
    r = r_ref[...]
    h = lax.dot_general(r, xb, (((0,), (0,)), ((), ())),
                        preferred_element_type=jnp.float32)
    total = jnp.concatenate([h, -h], axis=0)
    m = jnp.max(total, axis=0, keepdims=True)
    kidx = lax.broadcasted_iota(jnp.int32, (2 * NH, BLK), 0)
    key = jnp.min(jnp.where(total == m, kidx, 2 * NH), axis=0, keepdims=True)
    keybuf_ref[:, pl.ds(j * BLK, BLK)] = key

    @pl.when(j == S // BLK - 1)
    def _():
        pos_ref[...] = _pos_from_key(keybuf_ref[...])[None]


def _hashpos_call(x, random_R):
    nblk = S // BLK
    return pl.pallas_call(
        _hashpos_body,
        grid=(B, nblk),
        in_specs=[
            pl.BlockSpec((1, C, BLK), lambda b, j: (b, 0, j)),
            pl.BlockSpec((C, NH), lambda b, j: (0, 0)),
        ],
        out_specs=[
            pl.BlockSpec((1, 1, S), lambda b, j: (b, 0, 0)),
        ],
        out_shape=[
            jax.ShapeDtypeStruct((B, 1, S), jnp.int32),
        ],
        scratch_shapes=[pltpu.VMEM((1, S), jnp.int32)],
    )(x, random_R)


def _sc_scatter_body(pos_hbm, x_hbm, y_hbm, idx_v, val_v, y_v):
    wid = lax.axis_index("s") * 2 + lax.axis_index("c")

    @pl.when(wid < B)
    def _():
        pltpu.sync_copy(pos_hbm.at[wid, 0], idx_v)
        pltpu.sync_copy(x_hbm.at[wid, 0], val_v)

        def body(i, carry):
            sl = pl.ds(i * 16, 16)
            plsc.store_scatter(y_v, [idx_v[sl]], val_v[sl])
            return carry

        lax.fori_loop(0, S // 16, body, 0, unroll=8)
        pltpu.sync_copy(y_v, y_hbm.at[wid, 0])


def _sc_scatter(pos, x):
    mesh = plsc.VectorSubcoreMesh(core_axis_name="c", subcore_axis_name="s")
    return pl.kernel(
        _sc_scatter_body,
        out_type=jax.ShapeDtypeStruct((B, 1, S), jnp.float32),
        mesh=mesh,
        scratch_types=[
            pltpu.VMEM((S,), jnp.int32),
            pltpu.VMEM((S,), jnp.float32),
            pltpu.VMEM((S,), jnp.float32),
        ],
        compiler_params=pltpu.CompilerParams(
            needs_layout_passes=False,
            disable_semaphore_checks=True,
            skip_device_barrier=True,
        ),
    )(pos, x)


def _conv_body(y_ref, w_ref, out_ref):
    y = y_ref[:, 0, :]
    ypad = jnp.concatenate([jnp.zeros((B, K - 1), jnp.float32), y], axis=1)
    acc = w_ref[0, K - 1] * y
    for j in range(K - 1):
        acc = acc + w_ref[0, j] * ypad[:, K - 2 - j : K - 2 - j + S]
    out_ref[...] = acc[:, None, :]


def _conv_call(y, w):
    return pl.pallas_call(
        _conv_body,
        in_specs=[
            pl.BlockSpec((B, 1, S), lambda: (0, 0, 0)),
            pl.BlockSpec(memory_space=pltpu.SMEM),
        ],
        out_specs=pl.BlockSpec((B, 1, S), lambda: (0, 0, 0)),
        out_shape=jax.ShapeDtypeStruct((B, 1, S), jnp.float32),
    )(y, w)


def kernel(x, random_R, kernel_total):
    pos, = _hashpos_call(x, random_R)
    y = _sc_scatter(pos, x)
    w = kernel_total.reshape(1, K)
    return _conv_call(y, w)

# --- scband reference (transcript-rebuilt; emitter-appended) ---
"""Pipeline reference for scband-feed-forward-net-pre-83648783057348 (READ-ONLY COPY).

The authoritative reference and input builder live on the scoring server;
editing this copy changes nothing except your own understanding.
"""

import jax, jax.numpy as jnp
import numpy as np

KERNEL_SIZE = 65
PRE_KERNEL_SIZE = 1
NUM_CHANNELS = 2048
B, S = 4, 4096

def setup_inputs(seed: int = 0) -> dict:
    key = jax.random.key(seed)
    k1, k2, k3 = jax.random.split(key, 3)
    x = jax.random.normal(k1, (B, NUM_CHANNELS, S), dtype=jnp.float32)
    # non-trainable LSH projection, matches nn.Parameter(torch.rand(num_channels, 10//2), requires_grad=False)
    random_R = jax.random.uniform(k2, (NUM_CHANNELS, 10 // 2), dtype=jnp.float32)
    # trainable kernel, matches nn.Parameter(torch.rand(1, 1, kernel_size - pre_kernel_size + 1))
    kernel_total = jax.random.uniform(k3, (1, 1, KERNEL_SIZE - PRE_KERNEL_SIZE + 1), dtype=jnp.float32)
    return {"x": x, "random_R": random_R, "kernel_total": kernel_total}

def reference(x, random_R, kernel_total):
    # x: (B, C, S)
    seq_rep = jnp.transpose(x, (0, 2, 1))                      # (B, S, C)
    hash_rep = jnp.matmul(seq_rep, random_R)                   # (B, S, 5)
    total_hash = jnp.concatenate([hash_rep, -hash_rep], axis=-1)  # (B, S, 10)
    hash_index = jnp.argmax(total_hash, axis=-1)               # (B, S)
    # torch.sort returns (values, indices); we need the indices (permutation)
    indices = jnp.argsort(hash_index, axis=-1)                 # (B, S)
    indices = indices[..., None]                               # (B, S, 1)
    # torch.gather(seq_rep, 1, indices) with index shape (B, S, 1) only reads channel 0
    gathered = jnp.take_along_axis(seq_rep[..., :1], indices, axis=1)  # (B, S, 1)
    new_x = jnp.transpose(gathered, (0, 2, 1))                 # (B, 1, S)
    mats = []
    for i in range(PRE_KERNEL_SIZE, KERNEL_SIZE):
        rolled = jnp.roll(new_x, shift=i, axis=2)
        rolled = rolled.at[:, :, :i].set(0.0)
        mats.append(rolled)
    mats.append(new_x)
    matrix_total = jnp.stack(mats, axis=-1)                    # (B, 1, S, K)
    average_previous = (matrix_total * kernel_total).sum(axis=-1)  # (B, 1, S)
    return average_previous

if __name__ == "__main__":
    import jax
    _d = setup_inputs()
    print(jax.jit(kernel)(*tuple(_d.values())))

</pallas_src>

<mosaic_0001>
#map = affine_map<(d0, d1) -> (0, 0, 0)>
module attributes {stable_mosaic.version = 14 : i64} {
  func.func @_sc_scatter_body(%arg0: i32, %arg1: i32, %arg2: memref<4x1x4096xi32, #tpu.memory_space<hbm>>, %arg3: memref<4x2048x4096xf32, #tpu.memory_space<hbm>>, %arg4: memref<4x1x4096xf32, #tpu.memory_space<hbm>>, %arg5: memref<4096xi32, #tpu.memory_space<vmem>>, %arg6: memref<4096xf32, #tpu.memory_space<vmem>>, %arg7: memref<4096xf32, #tpu.memory_space<vmem>>) attributes {dimension_semantics = [#tpu.dimension_semantics<core_parallel>, #tpu.dimension_semantics<subcore_parallel>], iteration_bounds = array<i64: 2, 16>, scalar_prefetch = 0 : i64, scratch_operands = 3 : i64, tpu.core_type = #tpu.core_type<sc_vector_subcore>, window_params = [{transform_indices = #map}, {transform_indices = #map}, {transform_indices = #map}]} {
    %mul3A = arith.constant 2 : i32
    %mul3A_0 = arith.muli %arg1, %mul3A : i32
    %add3A = arith.addi %mul3A_0, %arg0 : i32
    %lt3A = arith.constant 4 : i32
    %lt3A_1 = arith.cmpi slt, %add3A, %lt3A : i32
    %convert_element_type3A = arith.extui %lt3A_1 : i1 to i32
    %cond3A = arith.constant 0 : i32
    %cond3A_2 = arith.cmpi ne, %convert_element_type3A, %cond3A : i32
    scf.if %cond3A_2 {
      %run_scoped3A = arith.constant 0 : i32
      "tpu.region"() ({
        %run_scoped3A_10 = tpu.sem_alloc : memref<!tpu.dma_semaphore, #tpu.memory_space<semaphore_mem>>
        %dma_start3A = arith.constant 0 : i32
        %dma_start3A_11 = tpu.memref_slice %arg2[%add3A, %run_scoped3A, %dma_start3A] : memref<4x1x4096xi32, #tpu.memory_space<hbm>> -> memref<1x1x4096xi32, #tpu.memory_space<hbm>>
        %dma_start3A_12 = tpu.memref_squeeze %dma_start3A_11 : memref<1x1x4096xi32, #tpu.memory_space<hbm>> -> memref<4096xi32, #tpu.memory_space<hbm>>
        %dma_start3A_13 = arith.constant 0 : i32
        %dma_start3A_14 = tpu.memref_slice %arg2[%add3A, %run_scoped3A, %dma_start3A_13] : memref<4x1x4096xi32, #tpu.memory_space<hbm>> -> memref<1x1x4096xi32, #tpu.memory_space<hbm>>
        %dma_start3A_15 = tpu.memref_squeeze %dma_start3A_14 : memref<1x1x4096xi32, #tpu.memory_space<hbm>> -> memref<4096xi32, #tpu.memory_space<hbm>>
        tpu.enqueue_dma source(%dma_start3A_15 : memref<4096xi32, #tpu.memory_space<hbm>>) target(%arg5 : memref<4096xi32, #tpu.memory_space<vmem>>) target_semaphore(%run_scoped3A_10 : memref<!tpu.dma_semaphore, #tpu.memory_space<semaphore_mem>>)
        %dma_wait3A = arith.constant 0 : i32
        %dma_wait3A_16 = tpu.memref_slice %arg2[%add3A, %run_scoped3A, %dma_wait3A] : memref<4x1x4096xi32, #tpu.memory_space<hbm>> -> memref<1x1x4096xi32, #tpu.memory_space<hbm>>
        %dma_wait3A_17 = tpu.memref_squeeze %dma_wait3A_16 : memref<1x1x4096xi32, #tpu.memory_space<hbm>> -> memref<4096xi32, #tpu.memory_space<hbm>>
        %dma_wait3A_18 = arith.constant 0 : i32
        %dma_wait3A_19 = tpu.memref_slice %arg2[%add3A, %run_scoped3A, %dma_wait3A_18] : memref<4x1x4096xi32, #tpu.memory_space<hbm>> -> memref<1x1x4096xi32, #tpu.memory_space<hbm>>
        %dma_wait3A_20 = tpu.memref_squeeze %dma_wait3A_19 : memref<1x1x4096xi32, #tpu.memory_space<hbm>> -> memref<4096xi32, #tpu.memory_space<hbm>>
        tpu.wait_dma2 semaphore(%run_scoped3A_10 : memref<!tpu.dma_semaphore, #tpu.memory_space<semaphore_mem>>) src(%dma_wait3A_20 : memref<4096xi32, #tpu.memory_space<hbm>>) dst(%arg5 : memref<4096xi32, #tpu.memory_space<vmem>>)
        tpu.yield
      }) : () -> ()
      %run_scoped3A_3 = arith.constant 0 : i32
      "tpu.region"() ({
        %run_scoped3A_10 = tpu.sem_alloc : memref<!tpu.dma_semaphore, #tpu.memory_space<semaphore_mem>>
        %dma_start3A = arith.constant 0 : i32
        %dma_start3A_11 = tpu.memref_slice %arg3[%add3A, %run_scoped3A_3, %dma_start3A] : memref<4x2048x4096xf32, #tpu.memory_space<hbm>> -> memref<1x1x4096xf32, #tpu.memory_space<hbm>>
        %dma_start3A_12 = tpu.memref_squeeze %dma_start3A_11 : memref<1x1x4096xf32, #tpu.memory_space<hbm>> -> memref<4096xf32, #tpu.memory_space<hbm>>
        %dma_start3A_13 = arith.constant 0 : i32
        %dma_start3A_14 = tpu.memref_slice %arg3[%add3A, %run_scoped3A_3, %dma_start3A_13] : memref<4x2048x4096xf32, #tpu.memory_space<hbm>> -> memref<1x1x4096xf32, #tpu.memory_space<hbm>>
        %dma_start3A_15 = tpu.memref_squeeze %dma_start3A_14 : memref<1x1x4096xf32, #tpu.memory_space<hbm>> -> memref<4096xf32, #tpu.memory_space<hbm>>
        tpu.enqueue_dma source(%dma_start3A_15 : memref<4096xf32, #tpu.memory_space<hbm>>) target(%arg6 : memref<4096xf32, #tpu.memory_space<vmem>>) target_semaphore(%run_scoped3A_10 : memref<!tpu.dma_semaphore, #tpu.memory_space<semaphore_mem>>)
        %dma_wait3A = arith.constant 0 : i32
        %dma_wait3A_16 = tpu.memref_slice %arg3[%add3A, %run_scoped3A_3, %dma_wait3A] : memref<4x2048x4096xf32, #tpu.memory_space<hbm>> -> memref<1x1x4096xf32, #tpu.memory_space<hbm>>
        %dma_wait3A_17 = tpu.memref_squeeze %dma_wait3A_16 : memref<1x1x4096xf32, #tpu.memory_space<hbm>> -> memref<4096xf32, #tpu.memory_space<hbm>>
        %dma_wait3A_18 = arith.constant 0 : i32
        %dma_wait3A_19 = tpu.memref_slice %arg3[%add3A, %run_scoped3A_3, %dma_wait3A_18] : memref<4x2048x4096xf32, #tpu.memory_space<hbm>> -> memref<1x1x4096xf32, #tpu.memory_space<hbm>>
        %dma_wait3A_20 = tpu.memref_squeeze %dma_wait3A_19 : memref<1x1x4096xf32, #tpu.memory_space<hbm>> -> memref<4096xf32, #tpu.memory_space<hbm>>
        tpu.wait_dma2 semaphore(%run_scoped3A_10 : memref<!tpu.dma_semaphore, #tpu.memory_space<semaphore_mem>>) src(%dma_wait3A_20 : memref<4096xf32, #tpu.memory_space<hbm>>) dst(%arg6 : memref<4096xf32, #tpu.memory_space<vmem>>)
        tpu.yield
      }) : () -> ()
      %scan3A = arith.constant 0 : i32
      %scan3A_4 = arith.constant 0 : i32
      %scan3A_5 = arith.constant 256 : i32
      %scan3A_6 = arith.addi %scan3A_4, %scan3A_5 : i32
      %scan3A_7 = arith.constant 8 : i32
      scf.for %scan3A_10 = %scan3A_4 to %scan3A_6 step %scan3A_7  : i32 {
        %mul3A_11 = arith.constant 16 : i32
        %mul3A_12 = arith.muli %scan3A_10, %mul3A_11 : i32
        %get3A = arith.index_cast %mul3A_12 : i32 to index
        %get3A_13 = tpu.vector_load %arg5[%get3A] {strides = array<i32>} : memref<4096xi32, #tpu.memory_space<vmem>>, vector<16xi32>,
        %get3A_14 = arith.index_cast %mul3A_12 : i32 to index
        %get3A_15 = tpu.vector_load %arg6[%get3A_14] {strides = array<i32>} : memref<4096xf32, #tpu.memory_space<vmem>>, vector<16xf32>,
        tpu.vector_store_idx %arg7[%get3A_13], %get3A_15 : memref<4096xf32, #tpu.memory_space<vmem>>[vector<16xi32>], vector<16xf32>,
        %scan3A_16 = arith.constant 1 : i32
        %scan3A_17 = arith.addi %scan3A_10, %scan3A_16 : i32
        %mul3A_18 = arith.constant 16 : i32
        %mul3A_19 = arith.muli %scan3A_17, %mul3A_18 : i32
        %get3A_20 = arith.index_cast %mul3A_19 : i32 to index
        %get3A_21 = tpu.vector_load %arg5[%get3A_20] {strides = array<i32>} : memref<4096xi32, #tpu.memory_space<vmem>>, vector<16xi32>,
        %get3A_22 = arith.index_cast %mul3A_19 : i32 to index
        %get3A_23 = tpu.vector_load %arg6[%get3A_22] {strides = array<i32>} : memref<4096xf32, #tpu.memory_space<vmem>>, vector<16xf32>,
        tpu.vector_store_idx %arg7[%get3A_21], %get3A_23 : memref<4096xf32, #tpu.memory_space<vmem>>[vector<16xi32>], vector<16xf32>,
        %scan3A_24 = arith.constant 2 : i32
        %scan3A_25 = arith.addi %scan3A_10, %scan3A_24 : i32
        %mul3A_26 = arith.constant 16 : i32
        %mul3A_27 = arith.muli %scan3A_25, %mul3A_26 : i32
        %get3A_28 = arith.index_cast %mul3A_27 : i32 to index
        %get3A_29 = tpu.vector_load %arg5[%get3A_28] {strides = array<i32>} : memref<4096xi32, #tpu.memory_space<vmem>>, vector<16xi32>,
        %get3A_30 = arith.index_cast %mul3A_27 : i32 to index
        %get3A_31 = tpu.vector_load %arg6[%get3A_30] {strides = array<i32>} : memref<4096xf32, #tpu.memory_space<vmem>>, vector<16xf32>,
        tpu.vector_store_idx %arg7[%get3A_29], %get3A_31 : memref<4096xf32, #tpu.memory_space<vmem>>[vector<16xi32>], vector<16xf32>,
        %scan3A_32 = arith.constant 3 : i32
        %scan3A_33 = arith.addi %scan3A_10, %scan3A_32 : i32
        %mul3A_34 = arith.constant 16 : i32
        %mul3A_35 = arith.muli %scan3A_33, %mul3A_34 : i32
        %get3A_36 = arith.index_cast %mul3A_35 : i32 to index
        %get3A_37 = tpu.vector_load %arg5[%get3A_36] {strides = array<i32>} : memref<4096xi32, #tpu.memory_space<vmem>>, vector<16xi32>,
        %get3A_38 = arith.index_cast %mul3A_35 : i32 to index
        %get3A_39 = tpu.vector_load %arg6[%get3A_38] {strides = array<i32>} : memref<4096xf32, #tpu.memory_space<vmem>>, vector<16xf32>,
        tpu.vector_store_idx %arg7[%get3A_37], %get3A_39 : memref<4096xf32, #tpu.memory_space<vmem>>[vector<16xi32>], vector<16xf32>,
        %scan3A_40 = arith.constant 4 : i32
        %scan3A_41 = arith.addi %scan3A_10, %scan3A_40 : i32
        %mul3A_42 = arith.constant 16 : i32
        %mul3A_43 = arith.muli %scan3A_41, %mul3A_42 : i32
        %get3A_44 = arith.index_cast %mul3A_43 : i32 to index
        %get3A_45 = tpu.vector_load %arg5[%get3A_44] {strides = array<i32>} : memref<4096xi32, #tpu.memory_space<vmem>>, vector<16xi32>,
        %get3A_46 = arith.index_cast %mul3A_43 : i32 to index
        %get3A_47 = tpu.vector_load %arg6[%get3A_46] {strides = array<i32>} : memref<4096xf32, #tpu.memory_space<vmem>>, vector<16xf32>,
        tpu.vector_store_idx %arg7[%get3A_45], %get3A_47 : memref<4096xf32, #tpu.memory_space<vmem>>[vector<16xi32>], vector<16xf32>,
        %scan3A_48 = arith.constant 5 : i32
        %scan3A_49 = arith.addi %scan3A_10, %scan3A_48 : i32
        %mul3A_50 = arith.constant 16 : i32
        %mul3A_51 = arith.muli %scan3A_49, %mul3A_50 : i32
        %get3A_52 = arith.index_cast %mul3A_51 : i32 to index
        %get3A_53 = tpu.vector_load %arg5[%get3A_52] {strides = array<i32>} : memref<4096xi32, #tpu.memory_space<vmem>>, vector<16xi32>,
        %get3A_54 = arith.index_cast %mul3A_51 : i32 to index
        %get3A_55 = tpu.vector_load %arg6[%get3A_54] {strides = array<i32>} : memref<4096xf32, #tpu.memory_space<vmem>>, vector<16xf32>,
        tpu.vector_store_idx %arg7[%get3A_53], %get3A_55 : memref<4096xf32, #tpu.memory_space<vmem>>[vector<16xi32>], vector<16xf32>,
        %scan3A_56 = arith.constant 6 : i32
        %scan3A_57 = arith.addi %scan3A_10, %scan3A_56 : i32
        %mul3A_58 = arith.constant 16 : i32
        %mul3A_59 = arith.muli %scan3A_57, %mul3A_58 : i32
        %get3A_60 = arith.index_cast %mul3A_59 : i32 to index
        %get3A_61 = tpu.vector_load %arg5[%get3A_60] {strides = array<i32>} : memref<4096xi32, #tpu.memory_space<vmem>>, vector<16xi32>,
        %get3A_62 = arith.index_cast %mul3A_59 : i32 to index
        %get3A_63 = tpu.vector_load %arg6[%get3A_62] {strides = array<i32>} : memref<4096xf32, #tpu.memory_space<vmem>>, vector<16xf32>,
        tpu.vector_store_idx %arg7[%get3A_61], %get3A_63 : memref<4096xf32, #tpu.memory_space<vmem>>[vector<16xi32>], vector<16xf32>,
        %scan3A_64 = arith.constant 7 : i32
        %scan3A_65 = arith.addi %scan3A_10, %scan3A_64 : i32
        %mul3A_66 = arith.constant 16 : i32
        %mul3A_67 = arith.muli %scan3A_65, %mul3A_66 : i32
        %get3A_68 = arith.index_cast %mul3A_67 : i32 to index
        %get3A_69 = tpu.vector_load %arg5[%get3A_68] {strides = array<i32>} : memref<4096xi32, #tpu.memory_space<vmem>>, vector<16xi32>,
        %get3A_70 = arith.index_cast %mul3A_67 : i32 to index
        %get3A_71 = tpu.vector_load %arg6[%get3A_70] {strides = array<i32>} : memref<4096xf32, #tpu.memory_space<vmem>>, vector<16xf32>,
        tpu.vector_store_idx %arg7[%get3A_69], %get3A_71 : memref<4096xf32, #tpu.memory_space<vmem>>[vector<16xi32>], vector<16xf32>,
      }
      %scan3A_8 = arith.constant 256 : i32
      %run_scoped3A_9 = arith.constant 0 : i32
      "tpu.region"() ({
        %run_scoped3A_10 = tpu.sem_alloc : memref<!tpu.dma_semaphore, #tpu.memory_space<semaphore_mem>>
        %dma_start3A = arith.constant 0 : i32
        %dma_start3A_11 = tpu.memref_slice %arg4[%add3A, %run_scoped3A_9, %dma_start3A] : memref<4x1x4096xf32, #tpu.memory_space<hbm>> -> memref<1x1x4096xf32, #tpu.memory_space<hbm>>
        %dma_start3A_12 = tpu.memref_squeeze %dma_start3A_11 : memref<1x1x4096xf32, #tpu.memory_space<hbm>> -> memref<4096xf32, #tpu.memory_space<hbm>>
        %dma_start3A_13 = arith.constant 0 : i32
        %dma_start3A_14 = tpu.memref_slice %arg4[%add3A, %run_scoped3A_9, %dma_start3A_13] : memref<4x1x4096xf32, #tpu.memory_space<hbm>> -> memref<1x1x4096xf32, #tpu.memory_space<hbm>>
        %dma_start3A_15 = tpu.memref_squeeze %dma_start3A_14 : memref<1x1x4096xf32, #tpu.memory_space<hbm>> -> memref<4096xf32, #tpu.memory_space<hbm>>
        tpu.enqueue_dma source(%arg7 : memref<4096xf32, #tpu.memory_space<vmem>>) target(%dma_start3A_15 : memref<4096xf32, #tpu.memory_space<hbm>>) target_semaphore(%run_scoped3A_10 : memref<!tpu.dma_semaphore, #tpu.memory_space<semaphore_mem>>)
        %dma_wait3A = arith.constant 0 : i32
        %dma_wait3A_16 = tpu.memref_slice %arg4[%add3A, %run_scoped3A_9, %dma_wait3A] : memref<4x1x4096xf32, #tpu.memory_space<hbm>> -> memref<1x1x4096xf32, #tpu.memory_space<hbm>>
        %dma_wait3A_17 = tpu.memref_squeeze %dma_wait3A_16 : memref<1x1x4096xf32, #tpu.memory_space<hbm>> -> memref<4096xf32, #tpu.memory_space<hbm>>
        %dma_wait3A_18 = arith.constant 0 : i32
        %dma_wait3A_19 = tpu.memref_slice %arg4[%add3A, %run_scoped3A_9, %dma_wait3A_18] : memref<4x1x4096xf32, #tpu.memory_space<hbm>> -> memref<1x1x4096xf32, #tpu.memory_space<hbm>>
        %dma_wait3A_20 = tpu.memref_squeeze %dma_wait3A_19 : memref<1x1x4096xf32, #tpu.memory_space<hbm>> -> memref<4096xf32, #tpu.memory_space<hbm>>
        tpu.wait_dma2 semaphore(%run_scoped3A_10 : memref<!tpu.dma_semaphore, #tpu.memory_space<semaphore_mem>>) src(%arg7 : memref<4096xf32, #tpu.memory_space<vmem>>) dst(%dma_wait3A_20 : memref<4096xf32, #tpu.memory_space<hbm>>)
        tpu.yield
      }) : () -> ()
    } else {
    }
    return
  }
}

module attributes {stable_mosaic.version = 14 : i64} {
  func.func @_hashpos_body(%arg0: i32, %arg1: i32, %arg2: memref<1x2048x1024xf32, #tpu.memory_space<vmem>>, %arg3: memref<2048x5xf32, #tpu.memory_space<vmem>>, %arg4: memref<1x1x4096xi32, #tpu.memory_space<vmem>>, %arg5: memref<1x4096xi32, #tpu.memory_space<vmem>>) attributes {dimension_semantics = [#tpu.dimension_semantics<arbitrary>, #tpu.dimension_semantics<arbitrary>], iteration_bounds = array<i64: 4, 4>, scalar_prefetch = 0 : i64, scratch_operands = 1 : i64, tpu.core_type = #tpu.core_type<tc>, window_params = [{transform_indices = @transform_0, window_bounds = array<i64: 1, 2048, 1024>}, {pipeline_mode = #tpu.pipeline_mode<synchronous>, transform_indices = @transform_1, window_bounds = array<i64: 2048, 5>}, {transform_indices = @transform_2, window_bounds = array<i64: 1, 1, 4096>}]} {
    %get3A = arith.constant 0 : index
    %get3A_0 = arith.constant 0 : index
    %get3A_1 = arith.constant 0 : index
    %get3A_2 = vector.load %arg2[%get3A, %get3A_0, %get3A_1] : memref<1x2048x1024xf32, #tpu.memory_space<vmem>>, vector<1x2048x1024xf32>
    %get3A_3 = vector.shape_cast %get3A_2 : vector<1x2048x1024xf32> to vector<2048x1024xf32>
    %get3A_4 = arith.constant 0 : index
    %get3A_5 = arith.constant 0 : index
    %get3A_6 = vector.load %arg3[%get3A_4, %get3A_5] : memref<2048x5xf32, #tpu.memory_space<vmem>>, vector<2048x5xf32>
    %dot_general3A = arith.constant dense<0.000000e+00> : vector<5x1024xf32>
    %dot_general3A_7 = tpu.matmul %get3A_6, %get3A_3, %dot_general3A {dimension_numbers = #tpu.dot_dimension_numbers<[0], [0], [1], [1], [0, 1, 1, 1], [], []>, transpose_lhs_hint = false} : vector<2048x5xf32>, vector<2048x1024xf32>, vector<5x1024xf32> -> vector<5x1024xf32>
    %neg3A = arith.constant 0.000000e+00 : f32
    %neg3A_8 = vector.broadcast %neg3A : f32 to vector<5x1024xf32>
    %neg3A_9 = arith.subf %neg3A_8, %dot_general3A_7 : vector<5x1024xf32>
    %concatenate3A = tpu.concatenate %dot_general3A_7, %neg3A_9 in 0 : vector<5x1024xf32>, vector<5x1024xf32> -> vector<10x1024xf32>
    %reduce_max3A = arith.constant dense<0xFF800000> : vector<1024xf32>
    %reduce_max3A_10 = vector.multi_reduction <maximumf>, %concatenate3A, %reduce_max3A [0] : vector<10x1024xf32> to vector<1024xf32>
    %broadcast_in_dim3A = vector.shape_cast %reduce_max3A_10 : vector<1024xf32> to vector<1x1024xf32>
    %iota3A = tpu.iota {dimensions = array<i32: 0>} : vector<10x1024xi32>
    %eq3A = vector.broadcast %broadcast_in_dim3A : vector<1x1024xf32> to vector<10x1024xf32>
    %eq3A_11 = arith.cmpf oeq, %concatenate3A, %eq3A : vector<10x1024xf32>
    %jit3A = arith.constant 10 : i32
    %broadcast_in_dim3A_12 = vector.broadcast %jit3A : i32 to vector<10x1024xi32>
    %select_n3A = arith.select %eq3A_11, %iota3A, %broadcast_in_dim3A_12 : vector<10x1024xi1>, vector<10x1024xi32>
    %reduce_min3A = arith.constant dense<2147483647> : vector<1024xi32>
    %reduce_min3A_13 = vector.multi_reduction <minsi>, %select_n3A, %reduce_min3A [0] : vector<10x1024xi32> to vector<1024xi32>
    %broadcast_in_dim3A_14 = vector.shape_cast %reduce_min3A_13 : vector<1024xi32> to vector<1x1024xi32>
    %mul3A = arith.constant 1024 : i32
    %mul3A_15 = arith.muli %arg1, %mul3A : i32
    %swap3A = arith.constant 0 : index
    %swap3A_16 = arith.index_cast %mul3A_15 : i32 to index
    %swap3A_17 = vector.load %arg5[%swap3A, %swap3A_16] : memref<1x4096xi32, #tpu.memory_space<vmem>>, vector<1x1024xi32>
    tpu.vector_store %arg5[%swap3A, %swap3A_16], %broadcast_in_dim3A_14 {strides = array<i32>} : memref<1x4096xi32, #tpu.memory_space<vmem>>, vector<1x1024xi32>,
    %eq3A_18 = arith.constant 3 : i32
    %eq3A_19 = arith.cmpi eq, %arg1, %eq3A_18 : i32
    %convert_element_type3A = arith.extui %eq3A_19 : i1 to i32
    %cond3A = arith.constant 0 : i32
    %cond3A_20 = arith.cmpi ne, %convert_element_type3A, %cond3A : i32
    scf.if %cond3A_20 {
      %get3A_21 = arith.constant 0 : index
      %get3A_22 = arith.constant 0 : index
      %get3A_23 = vector.load %arg5[%get3A_21, %get3A_22] : memref<1x4096xi32, #tpu.memory_space<vmem>>, vector<1x4096xi32>
      %iota3A_24 = tpu.iota {dimensions = array<i32: 0>} : vector<10x4096xi32>
      %eq3A_25 = vector.broadcast %get3A_23 : vector<1x4096xi32> to vector<10x4096xi32>
      %eq3A_26 = arith.cmpi eq, %iota3A_24, %eq3A_25 : vector<10x4096xi32>
      %convert_element_type3A_27 = arith.extui %eq3A_26 : vector<10x4096xi1> to vector<10x4096xi32>
      %convert_element_type3A_28 = arith.sitofp %convert_element_type3A_27 : vector<10x4096xi32> to vector<10x4096xf32>
      %broadcast_in_dim3A_29 = arith.constant 0.000000e+00 : f32
      %broadcast_in_dim3A_30 = vector.broadcast %broadcast_in_dim3A_29 : f32 to vector<10x1xf32>
      %slice3A = vector.extract_strided_slice %convert_element_type3A_28 {offsets = [0, 0], sizes = [10, 4095], strides = [1, 1]} : vector<10x4096xf32> to vector<10x4095xf32>
      %concatenate3A_31 = tpu.concatenate %broadcast_in_dim3A_30, %slice3A in 1 : vector<10x1xf32>, vector<10x4095xf32> -> vector<10x4096xf32>
      %add3A = arith.addf %convert_element_type3A_28, %concatenate3A_31 : vector<10x4096xf32>
      %broadcast_in_dim3A_32 = arith.constant 0.000000e+00 : f32
      %broadcast_in_dim3A_33 = vector.broadcast %broadcast_in_dim3A_32 : f32 to vector<10x2xf32>
      %slice3A_34 = vector.extract_strided_slice %add3A {offsets = [0, 0], sizes = [10, 4094], strides = [1, 1]} : vector<10x4096xf32> to vector<10x4094xf32>
      %concatenate3A_35 = tpu.concatenate %broadcast_in_dim3A_33, %slice3A_34 in 1 : vector<10x2xf32>, vector<10x4094xf32> -> vector<10x4096xf32>
      %add3A_36 = arith.addf %add3A, %concatenate3A_35 : vector<10x4096xf32>
      %broadcast_in_dim3A_37 = arith.constant 0.000000e+00 : f32
      %broadcast_in_dim3A_38 = vector.broadcast %broadcast_in_dim3A_37 : f32 to vector<10x4xf32>
      %slice3A_39 = vector.extract_strided_slice %add3A_36 {offsets = [0, 0], sizes = [10, 4092], strides = [1, 1]} : vector<10x4096xf32> to vector<10x4092xf32>
      %concatenate3A_40 = tpu.concatenate %broadcast_in_dim3A_38, %slice3A_39 in 1 : vector<10x4xf32>, vector<10x4092xf32> -> vector<10x4096xf32>
      %add3A_41 = arith.addf %add3A_36, %concatenate3A_40 : vector<10x4096xf32>
      %broadcast_in_dim3A_42 = arith.constant 0.000000e+00 : f32
      %broadcast_in_dim3A_43 = vector.broadcast %broadcast_in_dim3A_42 : f32 to vector<10x8xf32>
      %slice3A_44 = vector.extract_strided_slice %add3A_41 {offsets = [0, 0], sizes = [10, 4088], strides = [1, 1]} : vector<10x4096xf32> to vector<10x4088xf32>
      %concatenate3A_45 = tpu.concatenate %broadcast_in_dim3A_43, %slice3A_44 in 1 : vector<10x8xf32>, vector<10x4088xf32> -> vector<10x4096xf32>
      %add3A_46 = arith.addf %add3A_41, %concatenate3A_45 : vector<10x4096xf32>
      %broadcast_in_dim3A_47 = arith.constant 0.000000e+00 : f32
      %broadcast_in_dim3A_48 = vector.broadcast %broadcast_in_dim3A_47 : f32 to vector<10x16xf32>
      %slice3A_49 = vector.extract_strided_slice %add3A_46 {offsets = [0, 0], sizes = [10, 4080], strides = [1, 1]} : vector<10x4096xf32> to vector<10x4080xf32>
      %concatenate3A_50 = tpu.concatenate %broadcast_in_dim3A_48, %slice3A_49 in 1 : vector<10x16xf32>, vector<10x4080xf32> -> vector<10x4096xf32>
      %add3A_51 = arith.addf %add3A_46, %concatenate3A_50 : vector<10x4096xf32>
      %broadcast_in_dim3A_52 = arith.constant 0.000000e+00 : f32
      %broadcast_in_dim3A_53 = vector.broadcast %broadcast_in_dim3A_52 : f32 to vector<10x32xf32>
      %slice3A_54 = vector.extract_strided_slice %add3A_51 {offsets = [0, 0], sizes = [10, 4064], strides = [1, 1]} : vector<10x4096xf32> to vector<10x4064xf32>
      %concatenate3A_55 = tpu.concatenate %broadcast_in_dim3A_53, %slice3A_54 in 1 : vector<10x32xf32>, vector<10x4064xf32> -> vector<10x4096xf32>
      %add3A_56 = arith.addf %add3A_51, %concatenate3A_55 : vector<10x4096xf32>
      %broadcast_in_dim3A_57 = arith.constant 0.000000e+00 : f32
      %broadcast_in_dim3A_58 = vector.broadcast %broadcast_in_dim3A_57 : f32 to vector<10x64xf32>
      %slice3A_59 = vector.extract_strided_slice %add3A_56 {offsets = [0, 0], sizes = [10, 4032], strides = [1, 1]} : vector<10x4096xf32> to vector<10x4032xf32>
      %concatenate3A_60 = tpu.concatenate %broadcast_in_dim3A_58, %slice3A_59 in 1 : vector<10x64xf32>, vector<10x4032xf32> -> vector<10x4096xf32>
      %add3A_61 = arith.addf %add3A_56, %concatenate3A_60 : vector<10x4096xf32>
      %broadcast_in_dim3A_62 = arith.constant 0.000000e+00 : f32
      %broadcast_in_dim3A_63 = vector.broadcast %broadcast_in_dim3A_62 : f32 to vector<10x128xf32>
      %slice3A_64 = vector.extract_strided_slice %add3A_61 {offsets = [0, 0], sizes = [10, 3968], strides = [1, 1]} : vector<10x4096xf32> to vector<10x3968xf32>
      %concatenate3A_65 = tpu.concatenate %broadcast_in_dim3A_63, %slice3A_64 in 1 : vector<10x128xf32>, vector<10x3968xf32> -> vector<10x4096xf32>
      %add3A_66 = arith.addf %add3A_61, %concatenate3A_65 : vector<10x4096xf32>
      %broadcast_in_dim3A_67 = arith.constant 0.000000e+00 : f32
      %broadcast_in_dim3A_68 = vector.broadcast %broadcast_in_dim3A_67 : f32 to vector<10x256xf32>
      %slice3A_69 = vector.extract_strided_slice %add3A_66 {offsets = [0, 0], sizes = [10, 3840], strides = [1, 1]} : vector<10x4096xf32> to vector<10x3840xf32>
      %concatenate3A_70 = tpu.concatenate %broadcast_in_dim3A_68, %slice3A_69 in 1 : vector<10x256xf32>, vector<10x3840xf32> -> vector<10x4096xf32>
      %add3A_71 = arith.addf %add3A_66, %concatenate3A_70 : vector<10x4096xf32>
      %broadcast_in_dim3A_72 = arith.constant 0.000000e+00 : f32
      %broadcast_in_dim3A_73 = vector.broadcast %broadcast_in_dim3A_72 : f32 to vector<10x512xf32>
      %slice3A_74 = vector.extract_strided_slice %add3A_71 {offsets = [0, 0], sizes = [10, 3584], strides = [1, 1]} : vector<10x4096xf32> to vector<10x3584xf32>
      %concatenate3A_75 = tpu.concatenate %broadcast_in_dim3A_73, %slice3A_74 in 1 : vector<10x512xf32>, vector<10x3584xf32> -> vector<10x4096xf32>
      %add3A_76 = arith.addf %add3A_71, %concatenate3A_75 : vector<10x4096xf32>
      %broadcast_in_dim3A_77 = arith.constant 0.000000e+00 : f32
      %broadcast_in_dim3A_78 = vector.broadcast %broadcast_in_dim3A_77 : f32 to vector<10x1024xf32>
      %slice3A_79 = vector.extract_strided_slice %add3A_76 {offsets = [0, 0], sizes = [10, 3072], strides = [1, 1]} : vector<10x4096xf32> to vector<10x3072xf32>
      %concatenate3A_80 = tpu.concatenate %broadcast_in_dim3A_78, %slice3A_79 in 1 : vector<10x1024xf32>, vector<10x3072xf32> -> vector<10x4096xf32>
      %add3A_81 = arith.addf %add3A_76, %concatenate3A_80 : vector<10x4096xf32>
      %broadcast_in_dim3A_82 = arith.constant 0.000000e+00 : f32
      %broadcast_in_dim3A_83 = vector.broadcast %broadcast_in_dim3A_82 : f32 to vector<10x2048xf32>
      %slice3A_84 = vector.extract_strided_slice %add3A_81 {offsets = [0, 0], sizes = [10, 2048], strides = [1, 1]} : vector<10x4096xf32> to vector<10x2048xf32>
      %concatenate3A_85 = tpu.concatenate %broadcast_in_dim3A_83, %slice3A_84 in 1 : vector<10x2048xf32>, vector<10x2048xf32> -> vector<10x4096xf32>
      %add3A_86 = arith.addf %add3A_81, %concatenate3A_85 : vector<10x4096xf32>
      %sub3A = arith.subf %add3A_86, %convert_element_type3A_28 : vector<10x4096xf32>
      %slice3A_87 = vector.extract_strided_slice %add3A_86 {offsets = [0, 4095], sizes = [10, 1], strides = [1, 1]} : vector<10x4096xf32> to vector<10x1xf32>
      %broadcast_in_dim3A_88 = arith.constant 0.000000e+00 : f32
      %broadcast_in_dim3A_89 = vector.broadcast %broadcast_in_dim3A_88 : f32 to vector<1x1xf32>
      %slice3A_90 = vector.extract_strided_slice %slice3A_87 {offsets = [0, 0], sizes = [9, 1], strides = [1, 1]} : vector<10x1xf32> to vector<9x1xf32>
      %concatenate3A_91 = tpu.concatenate %broadcast_in_dim3A_89, %slice3A_90 in 0 : vector<1x1xf32>, vector<9x1xf32> -> vector<10x1xf32>
      %add3A_92 = arith.addf %slice3A_87, %concatenate3A_91 : vector<10x1xf32>
      %broadcast_in_dim3A_93 = arith.constant 0.000000e+00 : f32
      %broadcast_in_dim3A_94 = vector.broadcast %broadcast_in_dim3A_93 : f32 to vector<2x1xf32>
      %slice3A_95 = vector.extract_strided_slice %add3A_92 {offsets = [0, 0], sizes = [8, 1], strides = [1, 1]} : vector<10x1xf32> to vector<8x1xf32>
      %concatenate3A_96 = tpu.concatenate %broadcast_in_dim3A_94, %slice3A_95 in 0 : vector<2x1xf32>, vector<8x1xf32> -> vector<10x1xf32>
      %add3A_97 = arith.addf %add3A_92, %concatenate3A_96 : vector<10x1xf32>
      %broadcast_in_dim3A_98 = arith.constant 0.000000e+00 : f32
      %broadcast_in_dim3A_99 = vector.broadcast %broadcast_in_dim3A_98 : f32 to vector<4x1xf32>
      %slice3A_100 = vector.extract_strided_slice %add3A_97 {offsets = [0, 0], sizes = [6, 1], strides = [1, 1]} : vector<10x1xf32> to vector<6x1xf32>
      %concatenate3A_101 = tpu.concatenate %broadcast_in_dim3A_99, %slice3A_100 in 0 : vector<4x1xf32>, vector<6x1xf32> -> vector<10x1xf32>
      %add3A_102 = arith.addf %add3A_97, %concatenate3A_101 : vector<10x1xf32>
      %broadcast_in_dim3A_103 = arith.constant 0.000000e+00 : f32
      %broadcast_in_dim3A_104 = vector.broadcast %broadcast_in_dim3A_103 : f32 to vector<8x1xf32>
      %slice3A_105 = vector.extract_strided_slice %add3A_102 {offsets = [0, 0], sizes = [2, 1], strides = [1, 1]} : vector<10x1xf32> to vector<2x1xf32>
      %concatenate3A_106 = tpu.concatenate %broadcast_in_dim3A_104, %slice3A_105 in 0 : vector<8x1xf32>, vector<2x1xf32> -> vector<10x1xf32>
      %add3A_107 = arith.addf %add3A_102, %concatenate3A_106 : vector<10x1xf32>
      %sub3A_108 = arith.subf %add3A_107, %slice3A_87 : vector<10x1xf32>
      %add3A_109 = vector.broadcast %sub3A_108 : vector<10x1xf32> to vector<10x4096xf32>
      %add3A_110 = arith.addf %sub3A, %add3A_109 : vector<10x4096xf32>
      %mul3A_111 = arith.mulf %convert_element_type3A_28, %add3A_110 : vector<10x4096xf32>
      %reduce_sum3A = arith.constant dense<0.000000e+00> : vector<4096xf32>
      %reduce_sum3A_112 = vector.multi_reduction <add>, %mul3A_111, %reduce_sum3A [0] : vector<10x4096xf32> to vector<4096xf32>
      %broadcast_in_dim3A_113 = vector.shape_cast %reduce_sum3A_112 : vector<4096xf32> to vector<1x4096xf32>
      %convert_element_type3A_114 = arith.fptosi %broadcast_in_dim3A_113 : vector<1x4096xf32> to vector<1x4096xi32>
      %broadcast_in_dim3A_115 = vector.shape_cast %convert_element_type3A_114 : vector<1x4096xi32> to vector<1x1x4096xi32>
      %swap3A_116 = arith.constant 0 : index
      %swap3A_117 = arith.constant 0 : index
      %swap3A_118 = arith.constant 0 : index
      %swap3A_119 = vector.load %arg4[%swap3A_116, %swap3A_117, %swap3A_118] : memref<1x1x4096xi32, #tpu.memory_space<vmem>>, vector<1x1x4096xi32>
      tpu.vector_store %arg4[%swap3A_116, %swap3A_117, %swap3A_118], %broadcast_in_dim3A_115 {strides = array<i32>} : memref<1x1x4096xi32, #tpu.memory_space<vmem>>, vector<1x1x4096xi32>,
    } else {
    }
    return
  }
  func.func @transform_0(%arg0: i32, %arg1: i32) -> (i32, i32, i32) {
    %c0_i32 = arith.constant 0 : i32
    %c0_i32_0 = arith.constant 0 : i32
    return %arg0, %c0_i32, %arg1 : i32, i32, i32
  }
  func.func @transform_1(%arg0: i32, %arg1: i32) -> (i32, i32) {
    %c0_i32 = arith.constant 0 : i32
    %c0_i32_0 = arith.constant 0 : i32
    %c0_i32_1 = arith.constant 0 : i32
    return %c0_i32, %c0_i32_0 : i32, i32
  }
  func.func @transform_2(%arg0: i32, %arg1: i32) -> (i32, i32, i32) {
    %c0_i32 = arith.constant 0 : i32
    %c0_i32_0 = arith.constant 0 : i32
    %c0_i32_1 = arith.constant 0 : i32
    return %arg0, %c0_i32, %c0_i32_0 : i32, i32, i32
  }
}

module attributes {stable_mosaic.version = 14 : i64} {
  func.func @_conv_body(%arg0: memref<4x1x4096xf32, #tpu.memory_space<vmem>>, %arg1: memref<1x65xf32, #tpu.memory_space<smem>>, %arg2: memref<4x1x4096xf32, #tpu.memory_space<vmem>>) attributes {dimension_semantics = [], scalar_prefetch = 0 : i64, scratch_operands = 0 : i64, tpu.core_type = #tpu.core_type<tc>} {
    %get3A = arith.constant 0 : index
    %get3A_0 = arith.constant 0 : index
    %get3A_1 = arith.constant 0 : index
    %get3A_2 = vector.load %arg0[%get3A, %get3A_0, %get3A_1] : memref<4x1x4096xf32, #tpu.memory_space<vmem>>, vector<4x1x4096xf32>
    %get3A_3 = vector.shape_cast %get3A_2 : vector<4x1x4096xf32> to vector<4x4096xf32>
    %broadcast_in_dim3A = arith.constant 0.000000e+00 : f32
    %broadcast_in_dim3A_4 = vector.broadcast %broadcast_in_dim3A : f32 to vector<4x64xf32>
    %concatenate3A = tpu.concatenate %broadcast_in_dim3A_4, %get3A_3 in 1 : vector<4x64xf32>, vector<4x4096xf32> -> vector<4x4160xf32>
    %get3A_5 = arith.constant 0 : index
    %get3A_6 = arith.constant 64 : index
    %get3A_7 = memref.load %arg1[%get3A_5, %get3A_6] : memref<1x65xf32, #tpu.memory_space<smem>>
    %mul3A = vector.broadcast %get3A_7 : f32 to vector<4x4096xf32>
    %mul3A_8 = arith.mulf %mul3A, %get3A_3 : vector<4x4096xf32>
    %get3A_9 = arith.constant 0 : index
    %get3A_10 = arith.constant 0 : index
    %get3A_11 = memref.load %arg1[%get3A_9, %get3A_10] : memref<1x65xf32, #tpu.memory_space<smem>>
    %slice3A = vector.extract_strided_slice %concatenate3A {offsets = [0, 63], sizes = [4, 4096], strides = [1, 1]} : vector<4x4160xf32> to vector<4x4096xf32>
    %mul3A_12 = vector.broadcast %get3A_11 : f32 to vector<4x4096xf32>
    %mul3A_13 = arith.mulf %mul3A_12, %slice3A : vector<4x4096xf32>
    %add3A = arith.addf %mul3A_8, %mul3A_13 : vector<4x4096xf32>
    %get3A_14 = arith.constant 0 : index
    %get3A_15 = arith.constant 1 : index
    %get3A_16 = memref.load %arg1[%get3A_14, %get3A_15] : memref<1x65xf32, #tpu.memory_space<smem>>
    %slice3A_17 = vector.extract_strided_slice %concatenate3A {offsets = [0, 62], sizes = [4, 4096], strides = [1, 1]} : vector<4x4160xf32> to vector<4x4096xf32>
    %mul3A_18 = vector.broadcast %get3A_16 : f32 to vector<4x4096xf32>
    %mul3A_19 = arith.mulf %mul3A_18, %slice3A_17 : vector<4x4096xf32>
    %add3A_20 = arith.addf %add3A, %mul3A_19 : vector<4x4096xf32>
    %get3A_21 = arith.constant 0 : index
    %get3A_22 = arith.constant 2 : index
    %get3A_23 = memref.load %arg1[%get3A_21, %get3A_22] : memref<1x65xf32, #tpu.memory_space<smem>>
    %slice3A_24 = vector.extract_strided_slice %concatenate3A {offsets = [0, 61], sizes = [4, 4096], strides = [1, 1]} : vector<4x4160xf32> to vector<4x4096xf32>
    %mul3A_25 = vector.broadcast %get3A_23 : f32 to vector<4x4096xf32>
    %mul3A_26 = arith.mulf %mul3A_25, %slice3A_24 : vector<4x4096xf32>
    %add3A_27 = arith.addf %add3A_20, %mul3A_26 : vector<4x4096xf32>
    %get3A_28 = arith.constant 0 : index
    %get3A_29 = arith.constant 3 : index
    %get3A_30 = memref.load %arg1[%get3A_28, %get3A_29] : memref<1x65xf32, #tpu.memory_space<smem>>
    %slice3A_31 = vector.extract_strided_slice %concatenate3A {offsets = [0, 60], sizes = [4, 4096], strides = [1, 1]} : vector<4x4160xf32> to vector<4x4096xf32>
    %mul3A_32 = vector.broadcast %get3A_30 : f32 to vector<4x4096xf32>
    %mul3A_33 = arith.mulf %mul3A_32, %slice3A_31 : vector<4x4096xf32>
    %add3A_34 = arith.addf %add3A_27, %mul3A_33 : vector<4x4096xf32>
    %get3A_35 = arith.constant 0 : index
    %get3A_36 = arith.constant 4 : index
    %get3A_37 = memref.load %arg1[%get3A_35, %get3A_36] : memref<1x65xf32, #tpu.memory_space<smem>>
    %slice3A_38 = vector.extract_strided_slice %concatenate3A {offsets = [0, 59], sizes = [4, 4096], strides = [1, 1]} : vector<4x4160xf32> to vector<4x4096xf32>
    %mul3A_39 = vector.broadcast %get3A_37 : f32 to vector<4x4096xf32>
    %mul3A_40 = arith.mulf %mul3A_39, %slice3A_38 : vector<4x4096xf32>
    %add3A_41 = arith.addf %add3A_34, %mul3A_40 : vector<4x4096xf32>
    %get3A_42 = arith.constant 0 : index
    %get3A_43 = arith.constant 5 : index
    %get3A_44 = memref.load %arg1[%get3A_42, %get3A_43] : memref<1x65xf32, #tpu.memory_space<smem>>
    %slice3A_45 = vector.extract_strided_slice %concatenate3A {offsets = [0, 58], sizes = [4, 4096], strides = [1, 1]} : vector<4x4160xf32> to vector<4x4096xf32>
    %mul3A_46 = vector.broadcast %get3A_44 : f32 to vector<4x4096xf32>
    %mul3A_47 = arith.mulf %mul3A_46, %slice3A_45 : vector<4x4096xf32>
    %add3A_48 = arith.addf %add3A_41, %mul3A_47 : vector<4x4096xf32>
    %get3A_49 = arith.constant 0 : index
    %get3A_50 = arith.constant 6 : index
    %get3A_51 = memref.load %arg1[%get3A_49, %get3A_50] : memref<1x65xf32, #tpu.memory_space<smem>>
    %slice3A_52 = vector.extract_strided_slice %concatenate3A {offsets = [0, 57], sizes = [4, 4096], strides = [1, 1]} : vector<4x4160xf32> to vector<4x4096xf32>
    %mul3A_53 = vector.broadcast %get3A_51 : f32 to vector<4x4096xf32>
    %mul3A_54 = arith.mulf %mul3A_53, %slice3A_52 : vector<4x4096xf32>
    %add3A_55 = arith.addf %add3A_48, %mul3A_54 : vector<4x4096xf32>
    %get3A_56 = arith.constant 0 : index
    %get3A_57 = arith.constant 7 : index
    %get3A_58 = memref.load %arg1[%get3A_56, %get3A_57] : memref<1x65xf32, #tpu.memory_space<smem>>
    %slice3A_59 = vector.extract_strided_slice %concatenate3A {offsets = [0, 56], sizes = [4, 4096], strides = [1, 1]} : vector<4x4160xf32> to vector<4x4096xf32>
    %mul3A_60 = vector.broadcast %get3A_58 : f32 to vector<4x4096xf32>
    %mul3A_61 = arith.mulf %mul3A_60, %slice3A_59 : vector<4x4096xf32>
    %add3A_62 = arith.addf %add3A_55, %mul3A_61 : vector<4x4096xf32>
    %get3A_63 = arith.constant 0 : index
    %get3A_64 = arith.constant 8 : index
    %get3A_65 = memref.load %arg1[%get3A_63, %get3A_64] : memref<1x65xf32, #tpu.memory_space<smem>>
    %slice3A_66 = vector.extract_strided_slice %concatenate3A {offsets = [0, 55], sizes = [4, 4096], strides = [1, 1]} : vector<4x4160xf32> to vector<4x4096xf32>
    %mul3A_67 = vector.broadcast %get3A_65 : f32 to vector<4x4096xf32>
    %mul3A_68 = arith.mulf %mul3A_67, %slice3A_66 : vector<4x4096xf32>
    %add3A_69 = arith.addf %add3A_62, %mul3A_68 : vector<4x4096xf32>
    %get3A_70 = arith.constant 0 : index
    %get3A_71 = arith.constant 9 : index
    %get3A_72 = memref.load %arg1[%get3A_70, %get3A_71] : memref<1x65xf32, #tpu.memory_space<smem>>
    %slice3A_73 = vector.extract_strided_slice %concatenate3A {offsets = [0, 54], sizes = [4, 4096], strides = [1, 1]} : vector<4x4160xf32> to vector<4x4096xf32>
    %mul3A_74 = vector.broadcast %get3A_72 : f32 to vector<4x4096xf32>
    %mul3A_75 = arith.mulf %mul3A_74, %slice3A_73 : vector<4x4096xf32>
    %add3A_76 = arith.addf %add3A_69, %mul3A_75 : vector<4x4096xf32>
    %get3A_77 = arith.constant 0 : index
    %get3A_78 = arith.constant 10 : index
    %get3A_79 = memref.load %arg1[%get3A_77, %get3A_78] : memref<1x65xf32, #tpu.memory_space<smem>>
    %slice3A_80 = vector.extract_strided_slice %concatenate3A {offsets = [0, 53], sizes = [4, 4096], strides = [1, 1]} : vector<4x4160xf32> to vector<4x4096xf32>
    %mul3A_81 = vector.broadcast %get3A_79 : f32 to vector<4x4096xf32>
    %mul3A_82 = arith.mulf %mul3A_81, %slice3A_80 : vector<4x4096xf32>
    %add3A_83 = arith.addf %add3A_76, %mul3A_82 : vector<4x4096xf32>
    %get3A_84 = arith.constant 0 : index
    %get3A_85 = arith.constant 11 : index
    %get3A_86 = memref.load %arg1[%get3A_84, %get3A_85] : memref<1x65xf32, #tpu.memory_space<smem>>
    %slice3A_87 = vector.extract_strided_slice %concatenate3A {offsets = [0, 52], sizes = [4, 4096], strides = [1, 1]} : vector<4x4160xf32> to vector<4x4096xf32>
    %mul3A_88 = vector.broadcast %get3A_86 : f32 to vector<4x4096xf32>
    %mul3A_89 = arith.mulf %mul3A_88, %slice3A_87 : vector<4x4096xf32>
    %add3A_90 = arith.addf %add3A_83, %mul3A_89 : vector<4x4096xf32>
    %get3A_91 = arith.constant 0 : index
    %get3A_92 = arith.constant 12 : index
    %get3A_93 = memref.load %arg1[%get3A_91, %get3A_92] : memref<1x65xf32, #tpu.memory_space<smem>>
    %slice3A_94 = vector.extract_strided_slice %concatenate3A {offsets = [0, 51], sizes = [4, 4096], strides = [1, 1]} : vector<4x4160xf32> to vector<4x4096xf32>
    %mul3A_95 = vector.broadcast %get3A_93 : f32 to vector<4x4096xf32>
    %mul3A_96 = arith.mulf %mul3A_95, %slice3A_94 : vector<4x4096xf32>
    %add3A_97 = arith.addf %add3A_90, %mul3A_96 : vector<4x4096xf32>
    %get3A_98 = arith.constant 0 : index
    %get3A_99 = arith.constant 13 : index
    %get3A_100 = memref.load %arg1[%get3A_98, %get3A_99] : memref<1x65xf32, #tpu.memory_space<smem>>
    %slice3A_101 = vector.extract_strided_slice %concatenate3A {offsets = [0, 50], sizes = [4, 4096], strides = [1, 1]} : vector<4x4160xf32> to vector<4x4096xf32>
    %mul3A_102 = vector.broadcast %get3A_100 : f32 to vector<4x4096xf32>
    %mul3A_103 = arith.mulf %mul3A_102, %slice3A_101 : vector<4x4096xf32>
    %add3A_104 = arith.addf %add3A_97, %mul3A_103 : vector<4x4096xf32>
    %get3A_105 = arith.constant 0 : index
    %get3A_106 = arith.constant 14 : index
    %get3A_107 = memref.load %arg1[%get3A_105, %get3A_106] : memref<1x65xf32, #tpu.memory_space<smem>>
    %slice3A_108 = vector.extract_strided_slice %concatenate3A {offsets = [0, 49], sizes = [4, 4096], strides = [1, 1]} : vector<4x4160xf32> to vector<4x4096xf32>
    %mul3A_109 = vector.broadcast %get3A_107 : f32 to vector<4x4096xf32>
    %mul3A_110 = arith.mulf %mul3A_109, %slice3A_108 : vector<4x4096xf32>
    %add3A_111 = arith.addf %add3A_104, %mul3A_110 : vector<4x4096xf32>
    %get3A_112 = arith.constant 0 : index
    %get3A_113 = arith.constant 15 : index
    %get3A_114 = memref.load %arg1[%get3A_112, %get3A_113] : memref<1x65xf32, #tpu.memory_space<smem>>
    %slice3A_115 = vector.extract_strided_slice %concatenate3A {offsets = [0, 48], sizes = [4, 4096], strides = [1, 1]} : vector<4x4160xf32> to vector<4x4096xf32>
    %mul3A_116 = vector.broadcast %get3A_114 : f32 to vector<4x4096xf32>
    %mul3A_117 = arith.mulf %mul3A_116, %slice3A_115 : vector<4x4096xf32>
    %add3A_118 = arith.addf %add3A_111, %mul3A_117 : vector<4x4096xf32>
    %get3A_119 = arith.constant 0 : index
    %get3A_120 = arith.constant 16 : index
    %get3A_121 = memref.load %arg1[%get3A_119, %get3A_120] : memref<1x65xf32, #tpu.memory_space<smem>>
    %slice3A_122 = vector.extract_strided_slice %concatenate3A {offsets = [0, 47], sizes = [4, 4096], strides = [1, 1]} : vector<4x4160xf32> to vector<4x4096xf32>
    %mul3A_123 = vector.broadcast %get3A_121 : f32 to vector<4x4096xf32>
    %mul3A_124 = arith.mulf %mul3A_123, %slice3A_122 : vector<4x4096xf32>
    %add3A_125 = arith.addf %add3A_118, %mul3A_124 : vector<4x4096xf32>
    %get3A_126 = arith.constant 0 : index
    %get3A_127 = arith.constant 17 : index
    %get3A_128 = memref.load %arg1[%get3A_126, %get3A_127] : memref<1x65xf32, #tpu.memory_space<smem>>
    %slice3A_129 = vector.extract_strided_slice %concatenate3A {offsets = [0, 46], sizes = [4, 4096], strides = [1, 1]} : vector<4x4160xf32> to vector<4x4096xf32>
    %mul3A_130 = vector.broadcast %get3A_128 : f32 to vector<4x4096xf32>
    %mul3A_131 = arith.mulf %mul3A_130, %slice3A_129 : vector<4x4096xf32>
    %add3A_132 = arith.addf %add3A_125, %mul3A_131 : vector<4x4096xf32>
    %get3A_133 = arith.constant 0 : index
    %get3A_134 = arith.constant 18 : index
    %get3A_135 = memref.load %arg1[%get3A_133, %get3A_134] : memref<1x65xf32, #tpu.memory_space<smem>>
    %slice3A_136 = vector.extract_strided_slice %concatenate3A {offsets = [0, 45], sizes = [4, 4096], strides = [1, 1]} : vector<4x4160xf32> to vector<4x4096xf32>
    %mul3A_137 = vector.broadcast %get3A_135 : f32 to vector<4x4096xf32>
    %mul3A_138 = arith.mulf %mul3A_137, %slice3A_136 : vector<4x4096xf32>
    %add3A_139 = arith.addf %add3A_132, %mul3A_138 : vector<4x4096xf32>
    %get3A_140 = arith.constant 0 : index
    %get3A_141 = arith.constant 19 : index
    %get3A_142 = memref.load %arg1[%get3A_140, %get3A_141] : memref<1x65xf32, #tpu.memory_space<smem>>
    %slice3A_143 = vector.extract_strided_slice %concatenate3A {offsets = [0, 44], sizes = [4, 4096], strides = [1, 1]} : vector<4x4160xf32> to vector<4x4096xf32>
    %mul3A_144 = vector.broadcast %get3A_142 : f32 to vector<4x4096xf32>
    %mul3A_145 = arith.mulf %mul3A_144, %slice3A_143 : vector<4x4096xf32>
    %add3A_146 = arith.addf %add3A_139, %mul3A_145 : vector<4x4096xf32>
    %get3A_147 = arith.constant 0 : index
    %get3A_148 = arith.constant 20 : index
    %get3A_149 = memref.load %arg1[%get3A_147, %get3A_148] : memref<1x65xf32, #tpu.memory_space<smem>>
    %slice3A_150 = vector.extract_strided_slice %concatenate3A {offsets = [0, 43], sizes = [4, 4096], strides = [1, 1]} : vector<4x4160xf32> to vector<4x4096xf32>
    %mul3A_151 = vector.broadcast %get3A_149 : f32 to vector<4x4096xf32>
    %mul3A_152 = arith.mulf %mul3A_151, %slice3A_150 : vector<4x4096xf32>
    %add3A_153 = arith.addf %add3A_146, %mul3A_152 : vector<4x4096xf32>
    %get3A_154 = arith.constant 0 : index
    %get3A_155 = arith.constant 21 : index
    %get3A_156 = memref.load %arg1[%get3A_154, %get3A_155] : memref<1x65xf32, #tpu.memory_space<smem>>
    %slice3A_157 = vector.extract_strided_slice %concatenate3A {offsets = [0, 42], sizes = [4, 4096], strides = [1, 1]} : vector<4x4160xf32> to vector<4x4096xf32>
    %mul3A_158 = vector.broadcast %get3A_156 : f32 to vector<4x4096xf32>
    %mul3A_159 = arith.mulf %mul3A_158, %slice3A_157 : vector<4x4096xf32>
    %add3A_160 = arith.addf %add3A_153, %mul3A_159 : vector<4x4096xf32>
    %get3A_161 = arith.constant 0 : index
    %get3A_162 = arith.constant 22 : index
    %get3A_163 = memref.load %arg1[%get3A_161, %get3A_162] : memref<1x65xf32, #tpu.memory_space<smem>>
    %slice3A_164 = vector.extract_strided_slice %concatenate3A {offsets = [0, 41], sizes = [4, 4096], strides = [1, 1]} : vector<4x4160xf32> to vector<4x4096xf32>
    %mul3A_165 = vector.broadcast %get3A_163 : f32 to vector<4x4096xf32>
    %mul3A_166 = arith.mulf %mul3A_165, %slice3A_164 : vector<4x4096xf32>
    %add3A_167 = arith.addf %add3A_160, %mul3A_166 : vector<4x4096xf32>
    %get3A_168 = arith.constant 0 : index
    %get3A_169 = arith.constant 23 : index
    %get3A_170 = memref.load %arg1[%get3A_168, %get3A_169] : memref<1x65xf32, #tpu.memory_space<smem>>
    %slice3A_171 = vector.extract_strided_slice %concatenate3A {offsets = [0, 40], sizes = [4, 4096], strides = [1, 1]} : vector<4x4160xf32> to vector<4x4096xf32>
    %mul3A_172 = vector.broadcast %get3A_170 : f32 to vector<4x4096xf32>
    %mul3A_173 = arith.mulf %mul3A_172, %slice3A_171 : vector<4x4096xf32>
    %add3A_174 = arith.addf %add3A_167, %mul3A_173 : vector<4x4096xf32>
    %get3A_175 = arith.constant 0 : index
    %get3A_176 = arith.constant 24 : index
    %get3A_177 = memref.load %arg1[%get3A_175, %get3A_176] : memref<1x65xf32, #tpu.memory_space<smem>>
    %slice3A_178 = vector.extract_strided_slice %concatenate3A {offsets = [0, 39], sizes = [4, 4096], strides = [1, 1]} : vector<4x4160xf32> to vector<4x4096xf32>
    %mul3A_179 = vector.broadcast %get3A_177 : f32 to vector<4x4096xf32>
    %mul3A_180 = arith.mulf %mul3A_179, %slice3A_178 : vector<4x4096xf32>
    %add3A_181 = arith.addf %add3A_174, %mul3A_180 : vector<4x4096xf32>
    %get3A_182 = arith.constant 0 : index
    %get3A_183 = arith.constant 25 : index
    %get3A_184 = memref.load %arg1[%get3A_182, %get3A_183] : memref<1x65xf32, #tpu.memory_space<smem>>
    %slice3A_185 = vector.extract_strided_slice %concatenate3A {offsets = [0, 38], sizes = [4, 4096], strides = [1, 1]} : vector<4x4160xf32> to vector<4x4096xf32>
    %mul3A_186 = vector.broadcast %get3A_184 : f32 to vector<4x4096xf32>
    %mul3A_187 = arith.mulf %mul3A_186, %slice3A_185 : vector<4x4096xf32>
    %add3A_188 = arith.addf %add3A_181, %mul3A_187 : vector<4x4096xf32>
    %get3A_189 = arith.constant 0 : index
    %get3A_190 = arith.constant 26 : index
    %get3A_191 = memref.load %arg1[%get3A_189, %get3A_190] : memref<1x65xf32, #tpu.memory_space<smem>>
    %slice3A_192 = vector.extract_strided_slice %concatenate3A {offsets = [0, 37], sizes = [4, 4096], strides = [1, 1]} : vector<4x4160xf32> to vector<4x4096xf32>
    %mul3A_193 = vector.broadcast %get3A_191 : f32 to vector<4x4096xf32>
    %mul3A_194 = arith.mulf %mul3A_193, %slice3A_192 : vector<4x4096xf32>
    %add3A_195 = arith.addf %add3A_188, %mul3A_194 : vector<4x4096xf32>
    %get3A_196 = arith.constant 0 : index
    %get3A_197 = arith.constant 27 : index
    %get3A_198 = memref.load %arg1[%get3A_196, %get3A_197] : memref<1x65xf32, #tpu.memory_space<smem>>
    %slice3A_199 = vector.extract_strided_slice %concatenate3A {offsets = [0, 36], sizes = [4, 4096], strides = [1, 1]} : vector<4x4160xf32> to vector<4x4096xf32>
    %mul3A_200 = vector.broadcast %get3A_198 : f32 to vector<4x4096xf32>
    %mul3A_201 = arith.mulf %mul3A_200, %slice3A_199 : vector<4x4096xf32>
    %add3A_202 = arith.addf %add3A_195, %mul3A_201 : vector<4x4096xf32>
    %get3A_203 = arith.constant 0 : index
    %get3A_204 = arith.constant 28 : index
    %get3A_205 = memref.load %arg1[%get3A_203, %get3A_204] : memref<1x65xf32, #tpu.memory_space<smem>>
    %slice3A_206 = vector.extract_strided_slice %concatenate3A {offsets = [0, 35], sizes = [4, 4096], strides = [1, 1]} : vector<4x4160xf32> to vector<4x4096xf32>
    %mul3A_207 = vector.broadcast %get3A_205 : f32 to vector<4x4096xf32>
    %mul3A_208 = arith.mulf %mul3A_207, %slice3A_206 : vector<4x4096xf32>
    %add3A_209 = arith.addf %add3A_202, %mul3A_208 : vector<4x4096xf32>
    %get3A_210 = arith.constant 0 : index
    %get3A_211 = arith.constant 29 : index
    %get3A_212 = memref.load %arg1[%get3A_210, %get3A_211] : memref<1x65xf32, #tpu.memory_space<smem>>
    %slice3A_213 = vector.extract_strided_slice %concatenate3A {offsets = [0, 34], sizes = [4, 4096], strides = [1, 1]} : vector<4x4160xf32> to vector<4x4096xf32>
    %mul3A_214 = vector.broadcast %get3A_212 : f32 to vector<4x4096xf32>
    %mul3A_215 = arith.mulf %mul3A_214, %slice3A_213 : vector<4x4096xf32>
    %add3A_216 = arith.addf %add3A_209, %mul3A_215 : vector<4x4096xf32>
    %get3A_217 = arith.constant 0 : index
    %get3A_218 = arith.constant 30 : index
    %get3A_219 = memref.load %arg1[%get3A_217, %get3A_218] : memref<1x65xf32, #tpu.memory_space<smem>>
    %slice3A_220 = vector.extract_strided_slice %concatenate3A {offsets = [0, 33], sizes = [4, 4096], strides = [1, 1]} : vector<4x4160xf32> to vector<4x4096xf32>
    %mul3A_221 = vector.broadcast %get3A_219 : f32 to vector<4x4096xf32>
    %mul3A_222 = arith.mulf %mul3A_221, %slice3A_220 : vector<4x4096xf32>
    %add3A_223 = arith.addf %add3A_216, %mul3A_222 : vector<4x4096xf32>
    %get3A_224 = arith.constant 0 : index
    %get3A_225 = arith.constant 31 : index
    %get3A_226 = memref.load %arg1[%get3A_224, %get3A_225] : memref<1x65xf32, #tpu.memory_space<smem>>
    %slice3A_227 = vector.extract_strided_slice %concatenate3A {offsets = [0, 32], sizes = [4, 4096], strides = [1, 1]} : vector<4x4160xf32> to vector<4x4096xf32>
    %mul3A_228 = vector.broadcast %get3A_226 : f32 to vector<4x4096xf32>
    %mul3A_229 = arith.mulf %mul3A_228, %slice3A_227 : vector<4x4096xf32>
    %add3A_230 = arith.addf %add3A_223, %mul3A_229 : vector<4x4096xf32>
    %get3A_231 = arith.constant 0 : index
    %get3A_232 = arith.constant 32 : index
    %get3A_233 = memref.load %arg1[%get3A_231, %get3A_232] : memref<1x65xf32, #tpu.memory_space<smem>>
    %slice3A_234 = vector.extract_strided_slice %concatenate3A {offsets = [0, 31], sizes = [4, 4096], strides = [1, 1]} : vector<4x4160xf32> to vector<4x4096xf32>
    %mul3A_235 = vector.broadcast %get3A_233 : f32 to vector<4x4096xf32>
    %mul3A_236 = arith.mulf %mul3A_235, %slice3A_234 : vector<4x4096xf32>
    %add3A_237 = arith.addf %add3A_230, %mul3A_236 : vector<4x4096xf32>
    %get3A_238 = arith.constant 0 : index
    %get3A_239 = arith.constant 33 : index
    %get3A_240 = memref.load %arg1[%get3A_238, %get3A_239] : memref<1x65xf32, #tpu.memory_space<smem>>
    %slice3A_241 = vector.extract_strided_slice %concatenate3A {offsets = [0, 30], sizes = [4, 4096], strides = [1, 1]} : vector<4x4160xf32> to vector<4x4096xf32>
    %mul3A_242 = vector.broadcast %get3A_240 : f32 to vector<4x4096xf32>
    %mul3A_243 = arith.mulf %mul3A_242, %slice3A_241 : vector<4x4096xf32>
    %add3A_244 = arith.addf %add3A_237, %mul3A_243 : vector<4x4096xf32>
    %get3A_245 = arith.constant 0 : index
    %get3A_246 = arith.constant 34 : index
    %get3A_247 = memref.load %arg1[%get3A_245, %get3A_246] : memref<1x65xf32, #tpu.memory_space<smem>>
    %slice3A_248 = vector.extract_strided_slice %concatenate3A {offsets = [0, 29], sizes = [4, 4096], strides = [1, 1]} : vector<4x4160xf32> to vector<4x4096xf32>
    %mul3A_249 = vector.broadcast %get3A_247 : f32 to vector<4x4096xf32>
    %mul3A_250 = arith.mulf %mul3A_249, %slice3A_248 : vector<4x4096xf32>
    %add3A_251 = arith.addf %add3A_244, %mul3A_250 : vector<4x4096xf32>
    %get3A_252 = arith.constant 0 : index
    %get3A_253 = arith.constant 35 : index
    %get3A_254 = memref.load %arg1[%get3A_252, %get3A_253] : memref<1x65xf32, #tpu.memory_space<smem>>
    %slice3A_255 = vector.extract_strided_slice %concatenate3A {offsets = [0, 28], sizes = [4, 4096], strides = [1, 1]} : vector<4x4160xf32> to vector<4x4096xf32>
    %mul3A_256 = vector.broadcast %get3A_254 : f32 to vector<4x4096xf32>
    %mul3A_257 = arith.mulf %mul3A_256, %slice3A_255 : vector<4x4096xf32>
    %add3A_258 = arith.addf %add3A_251, %mul3A_257 : vector<4x4096xf32>
    %get3A_259 = arith.constant 0 : index
    %get3A_260 = arith.constant 36 : index
    %get3A_261 = memref.load %arg1[%get3A_259, %get3A_260] : memref<1x65xf32, #tpu.memory_space<smem>>
    %slice3A_262 = vector.extract_strided_slice %concatenate3A {offsets = [0, 27], sizes = [4, 4096], strides = [1, 1]} : vector<4x4160xf32> to vector<4x4096xf32>
    %mul3A_263 = vector.broadcast %get3A_261 : f32 to vector<4x4096xf32>
    %mul3A_264 = arith.mulf %mul3A_263, %slice3A_262 : vector<4x4096xf32>
    %add3A_265 = arith.addf %add3A_258, %mul3A_264 : vector<4x4096xf32>
    %get3A_266 = arith.constant 0 : index
    %get3A_267 = arith.constant 37 : index
    %get3A_268 = memref.load %arg1[%get3A_266, %get3A_267] : memref<1x65xf32, #tpu.memory_space<smem>>
    %slice3A_269 = vector.extract_strided_slice %concatenate3A {offsets = [0, 26], sizes = [4, 4096], strides = [1, 1]} : vector<4x4160xf32> to vector<4x4096xf32>
    %mul3A_270 = vector.broadcast %get3A_268 : f32 to vector<4x4096xf32>
    %mul3A_271 = arith.mulf %mul3A_270, %slice3A_269 : vector<4x4096xf32>
    %add3A_272 = arith.addf %add3A_265, %mul3A_271 : vector<4x4096xf32>
    %get3A_273 = arith.constant 0 : index
    %get3A_274 = arith.constant 38 : index
    %get3A_275 = memref.load %arg1[%get3A_273, %get3A_274] : memref<1x65xf32, #tpu.memory_space<smem>>
    %slice3A_276 = vector.extract_strided_slice %concatenate3A {offsets = [0, 25], sizes = [4, 4096], strides = [1, 1]} : vector<4x4160xf32> to vector<4x4096xf32>
    %mul3A_277 = vector.broadcast %get3A_275 : f32 to vector<4x4096xf32>
    %mul3A_278 = arith.mulf %mul3A_277, %slice3A_276 : vector<4x4096xf32>
    %add3A_279 = arith.addf %add3A_272, %mul3A_278 : vector<4x4096xf32>
    %get3A_280 = arith.constant 0 : index
    %get3A_281 = arith.constant 39 : index
    %get3A_282 = memref.load %arg1[%get3A_280, %get3A_281] : memref<1x65xf32, #tpu.memory_space<smem>>
    %slice3A_283 = vector.extract_strided_slice %concatenate3A {offsets = [0, 24], sizes = [4, 4096], strides = [1, 1]} : vector<4x4160xf32> to vector<4x4096xf32>
    %mul3A_284 = vector.broadcast %get3A_282 : f32 to vector<4x4096xf32>
    %mul3A_285 = arith.mulf %mul3A_284, %slice3A_283 : vector<4x4096xf32>
    %add3A_286 = arith.addf %add3A_279, %mul3A_285 : vector<4x4096xf32>
    %get3A_287 = arith.constant 0 : index
    %get3A_288 = arith.constant 40 : index
    %get3A_289 = memref.load %arg1[%get3A_287, %get3A_288] : memref<1x65xf32, #tpu.memory_space<smem>>
    %slice3A_290 = vector.extract_strided_slice %concatenate3A {offsets = [0, 23], sizes = [4, 4096], strides = [1, 1]} : vector<4x4160xf32> to vector<4x4096xf32>
    %mul3A_291 = vector.broadcast %get3A_289 : f32 to vector<4x4096xf32>
    %mul3A_292 = arith.mulf %mul3A_291, %slice3A_290 : vector<4x4096xf32>
    %add3A_293 = arith.addf %add3A_286, %mul3A_292 : vector<4x4096xf32>
    %get3A_294 = arith.constant 0 : index
    %get3A_295 = arith.constant 41 : index
    %get3A_296 = memref.load %arg1[%get3A_294, %get3A_295] : memref<1x65xf32, #tpu.memory_space<smem>>
    %slice3A_297 = vector.extract_strided_slice %concatenate3A {offsets = [0, 22], sizes = [4, 4096], strides = [1, 1]} : vector<4x4160xf32> to vector<4x4096xf32>
    %mul3A_298 = vector.broadcast %get3A_296 : f32 to vector<4x4096xf32>
    %mul3A_299 = arith.mulf %mul3A_298, %slice3A_297 : vector<4x4096xf32>
    %add3A_300 = arith.addf %add3A_293, %mul3A_299 : vector<4x4096xf32>
    %get3A_301 = arith.constant 0 : index
    %get3A_302 = arith.constant 42 : index
    %get3A_303 = memref.load %arg1[%get3A_301, %get3A_302] : memref<1x65xf32, #tpu.memory_space<smem>>
    %slice3A_304 = vector.extract_strided_slice %concatenate3A {offsets = [0, 21], sizes = [4, 4096], strides = [1, 1]} : vector<4x4160xf32> to vector<4x4096xf32>
    %mul3A_305 = vector.broadcast %get3A_303 : f32 to vector<4x4096xf32>
    %mul3A_306 = arith.mulf %mul3A_305, %slice3A_304 : vector<4x4096xf32>
    %add3A_307 = arith.addf %add3A_300, %mul3A_306 : vector<4x4096xf32>
    %get3A_308 = arith.constant 0 : index
    %get3A_309 = arith.constant 43 : index
    %get3A_310 = memref.load %arg1[%get3A_308, %get3A_309] : memref<1x65xf32, #tpu.memory_space<smem>>
    %slice3A_311 = vector.extract_strided_slice %concatenate3A {offsets = [0, 20], sizes = [4, 4096], strides = [1, 1]} : vector<4x4160xf32> to vector<4x4096xf32>
    %mul3A_312 = vector.broadcast %get3A_310 : f32 to vector<4x4096xf32>
    %mul3A_313 = arith.mulf %mul3A_312, %slice3A_311 : vector<4x4096xf32>
    %add3A_314 = arith.addf %add3A_307, %mul3A_313 : vector<4x4096xf32>
    %get3A_315 = arith.constant 0 : index
    %get3A_316 = arith.constant 44 : index
    %get3A_317 = memref.load %arg1[%get3A_315, %get3A_316] : memref<1x65xf32, #tpu.memory_space<smem>>
    %slice3A_318 = vector.extract_strided_slice %concatenate3A {offsets = [0, 19], sizes = [4, 4096], strides = [1, 1]} : vector<4x4160xf32> to vector<4x4096xf32>
    %mul3A_319 = vector.broadcast %get3A_317 : f32 to vector<4x4096xf32>
    %mul3A_320 = arith.mulf %mul3A_319, %slice3A_318 : vector<4x4096xf32>
    %add3A_321 = arith.addf %add3A_314, %mul3A_320 : vector<4x4096xf32>
    %get3A_322 = arith.constant 0 : index
    %get3A_323 = arith.constant 45 : index
    %get3A_324 = memref.load %arg1[%get3A_322, %get3A_323] : memref<1x65xf32, #tpu.memory_space<smem>>
    %slice3A_325 = vector.extract_strided_slice %concatenate3A {offsets = [0, 18], sizes = [4, 4096], strides = [1, 1]} : vector<4x4160xf32> to vector<4x4096xf32>
    %mul3A_326 = vector.broadcast %get3A_324 : f32 to vector<4x4096xf32>
    %mul3A_327 = arith.mulf %mul3A_326, %slice3A_325 : vector<4x4096xf32>
    %add3A_328 = arith.addf %add3A_321, %mul3A_327 : vector<4x4096xf32>
    %get3A_329 = arith.constant 0 : index
    %get3A_330 = arith.constant 46 : index
    %get3A_331 = memref.load %arg1[%get3A_329, %get3A_330] : memref<1x65xf32, #tpu.memory_space<smem>>
    %slice3A_332 = vector.extract_strided_slice %concatenate3A {offsets = [0, 17], sizes = [4, 4096], strides = [1, 1]} : vector<4x4160xf32> to vector<4x4096xf32>
    %mul3A_333 = vector.broadcast %get3A_331 : f32 to vector<4x4096xf32>
    %mul3A_334 = arith.mulf %mul3A_333, %slice3A_332 : vector<4x4096xf32>
    %add3A_335 = arith.addf %add3A_328, %mul3A_334 : vector<4x4096xf32>
    %get3A_336 = arith.constant 0 : index
    %get3A_337 = arith.constant 47 : index
    %get3A_338 = memref.load %arg1[%get3A_336, %get3A_337] : memref<1x65xf32, #tpu.memory_space<smem>>
    %slice3A_339 = vector.extract_strided_slice %concatenate3A {offsets = [0, 16], sizes = [4, 4096], strides = [1, 1]} : vector<4x4160xf32> to vector<4x4096xf32>
    %mul3A_340 = vector.broadcast %get3A_338 : f32 to vector<4x4096xf32>
    %mul3A_341 = arith.mulf %mul3A_340, %slice3A_339 : vector<4x4096xf32>
    %add3A_342 = arith.addf %add3A_335, %mul3A_341 : vector<4x4096xf32>
    %get3A_343 = arith.constant 0 : index
    %get3A_344 = arith.constant 48 : index
    %get3A_345 = memref.load %arg1[%get3A_343, %get3A_344] : memref<1x65xf32, #tpu.memory_space<smem>>
    %slice3A_346 = vector.extract_strided_slice %concatenate3A {offsets = [0, 15], sizes = [4, 4096], strides = [1, 1]} : vector<4x4160xf32> to vector<4x4096xf32>
    %mul3A_347 = vector.broadcast %get3A_345 : f32 to vector<4x4096xf32>
    %mul3A_348 = arith.mulf %mul3A_347, %slice3A_346 : vector<4x4096xf32>
    %add3A_349 = arith.addf %add3A_342, %mul3A_348 : vector<4x4096xf32>
    %get3A_350 = arith.constant 0 : index
    %get3A_351 = arith.constant 49 : index
    %get3A_352 = memref.load %arg1[%get3A_350, %get3A_351] : memref<1x65xf32, #tpu.memory_space<smem>>
    %slice3A_353 = vector.extract_strided_slice %concatenate3A {offsets = [0, 14], sizes = [4, 4096], strides = [1, 1]} : vector<4x4160xf32> to vector<4x4096xf32>
    %mul3A_354 = vector.broadcast %get3A_352 : f32 to vector<4x4096xf32>
    %mul3A_355 = arith.mulf %mul3A_354, %slice3A_353 : vector<4x4096xf32>
    %add3A_356 = arith.addf %add3A_349, %mul3A_355 : vector<4x4096xf32>
    %get3A_357 = arith.constant 0 : index
    %get3A_358 = arith.constant 50 : index
    %get3A_359 = memref.load %arg1[%get3A_357, %get3A_358] : memref<1x65xf32, #tpu.memory_space<smem>>
    %slice3A_360 = vector.extract_strided_slice %concatenate3A {offsets = [0, 13], sizes = [4, 4096], strides = [1, 1]} : vector<4x4160xf32> to vector<4x4096xf32>
    %mul3A_361 = vector.broadcast %get3A_359 : f32 to vector<4x4096xf32>
    %mul3A_362 = arith.mulf %mul3A_361, %slice3A_360 : vector<4x4096xf32>
    %add3A_363 = arith.addf %add3A_356, %mul3A_362 : vector<4x4096xf32>
    %get3A_364 = arith.constant 0 : index
    %get3A_365 = arith.constant 51 : index
    %get3A_366 = memref.load %arg1[%get3A_364, %get3A_365] : memref<1x65xf32, #tpu.memory_space<smem>>
    %slice3A_367 = vector.extract_strided_slice %concatenate3A {offsets = [0, 12], sizes = [4, 4096], strides = [1, 1]} : vector<4x4160xf32> to vector<4x4096xf32>
    %mul3A_368 = vector.broadcast %get3A_366 : f32 to vector<4x4096xf32>
    %mul3A_369 = arith.mulf %mul3A_368, %slice3A_367 : vector<4x4096xf32>
    %add3A_370 = arith.addf %add3A_363, %mul3A_369 : vector<4x4096xf32>
    %get3A_371 = arith.constant 0 : index
    %get3A_372 = arith.constant 52 : index
    %get3A_373 = memref.load %arg1[%get3A_371, %get3A_372] : memref<1x65xf32, #tpu.memory_space<smem>>
    %slice3A_374 = vector.extract_strided_slice %concatenate3A {offsets = [0, 11], sizes = [4, 4096], strides = [1, 1]} : vector<4x4160xf32> to vector<4x4096xf32>
    %mul3A_375 = vector.broadcast %get3A_373 : f32 to vector<4x4096xf32>
    %mul3A_376 = arith.mulf %mul3A_375, %slice3A_374 : vector<4x4096xf32>
    %add3A_377 = arith.addf %add3A_370, %mul3A_376 : vector<4x4096xf32>
    %get3A_378 = arith.constant 0 : index
    %get3A_379 = arith.constant 53 : index
    %get3A_380 = memref.load %arg1[%get3A_378, %get3A_379] : memref<1x65xf32, #tpu.memory_space<smem>>
    %slice3A_381 = vector.extract_strided_slice %concatenate3A {offsets = [0, 10], sizes = [4, 4096], strides = [1, 1]} : vector<4x4160xf32> to vector<4x4096xf32>
    %mul3A_382 = vector.broadcast %get3A_380 : f32 to vector<4x4096xf32>
    %mul3A_383 = arith.mulf %mul3A_382, %slice3A_381 : vector<4x4096xf32>
    %add3A_384 = arith.addf %add3A_377, %mul3A_383 : vector<4x4096xf32>
    %get3A_385 = arith.constant 0 : index
    %get3A_386 = arith.constant 54 : index
    %get3A_387 = memref.load %arg1[%get3A_385, %get3A_386] : memref<1x65xf32, #tpu.memory_space<smem>>
    %slice3A_388 = vector.extract_strided_slice %concatenate3A {offsets = [0, 9], sizes = [4, 4096], strides = [1, 1]} : vector<4x4160xf32> to vector<4x4096xf32>
    %mul3A_389 = vector.broadcast %get3A_387 : f32 to vector<4x4096xf32>
    %mul3A_390 = arith.mulf %mul3A_389, %slice3A_388 : vector<4x4096xf32>
    %add3A_391 = arith.addf %add3A_384, %mul3A_390 : vector<4x4096xf32>
    %get3A_392 = arith.constant 0 : index
    %get3A_393 = arith.constant 55 : index
    %get3A_394 = memref.load %arg1[%get3A_392, %get3A_393] : memref<1x65xf32, #tpu.memory_space<smem>>
    %slice3A_395 = vector.extract_strided_slice %concatenate3A {offsets = [0, 8], sizes = [4, 4096], strides = [1, 1]} : vector<4x4160xf32> to vector<4x4096xf32>
    %mul3A_396 = vector.broadcast %get3A_394 : f32 to vector<4x4096xf32>
    %mul3A_397 = arith.mulf %mul3A_396, %slice3A_395 : vector<4x4096xf32>
    %add3A_398 = arith.addf %add3A_391, %mul3A_397 : vector<4x4096xf32>
    %get3A_399 = arith.constant 0 : index
    %get3A_400 = arith.constant 56 : index
    %get3A_401 = memref.load %arg1[%get3A_399, %get3A_400] : memref<1x65xf32, #tpu.memory_space<smem>>
    %slice3A_402 = vector.extract_strided_slice %concatenate3A {offsets = [0, 7], sizes = [4, 4096], strides = [1, 1]} : vector<4x4160xf32> to vector<4x4096xf32>
    %mul3A_403 = vector.broadcast %get3A_401 : f32 to vector<4x4096xf32>
    %mul3A_404 = arith.mulf %mul3A_403, %slice3A_402 : vector<4x4096xf32>
    %add3A_405 = arith.addf %add3A_398, %mul3A_404 : vector<4x4096xf32>
    %get3A_406 = arith.constant 0 : index
    %get3A_407 = arith.constant 57 : index
    %get3A_408 = memref.load %arg1[%get3A_406, %get3A_407] : memref<1x65xf32, #tpu.memory_space<smem>>
    %slice3A_409 = vector.extract_strided_slice %concatenate3A {offsets = [0, 6], sizes = [4, 4096], strides = [1, 1]} : vector<4x4160xf32> to vector<4x4096xf32>
    %mul3A_410 = vector.broadcast %get3A_408 : f32 to vector<4x4096xf32>
    %mul3A_411 = arith.mulf %mul3A_410, %slice3A_409 : vector<4x4096xf32>
    %add3A_412 = arith.addf %add3A_405, %mul3A_411 : vector<4x4096xf32>
    %get3A_413 = arith.constant 0 : index
    %get3A_414 = arith.constant 58 : index
    %get3A_415 = memref.load %arg1[%get3A_413, %get3A_414] : memref<1x65xf32, #tpu.memory_space<smem>>
    %slice3A_416 = vector.extract_strided_slice %concatenate3A {offsets = [0, 5], sizes = [4, 4096], strides = [1, 1]} : vector<4x4160xf32> to vector<4x4096xf32>
    %mul3A_417 = vector.broadcast %get3A_415 : f32 to vector<4x4096xf32>
    %mul3A_418 = arith.mulf %mul3A_417, %slice3A_416 : vector<4x4096xf32>
    %add3A_419 = arith.addf %add3A_412, %mul3A_418 : vector<4x4096xf32>
    %get3A_420 = arith.constant 0 : index
    %get3A_421 = arith.constant 59 : index
    %get3A_422 = memref.load %arg1[%get3A_420, %get3A_421] : memref<1x65xf32, #tpu.memory_space<smem>>
    %slice3A_423 = vector.extract_strided_slice %concatenate3A {offsets = [0, 4], sizes = [4, 4096], strides = [1, 1]} : vector<4x4160xf32> to vector<4x4096xf32>
    %mul3A_424 = vector.broadcast %get3A_422 : f32 to vector<4x4096xf32>
    %mul3A_425 = arith.mulf %mul3A_424, %slice3A_423 : vector<4x4096xf32>
    %add3A_426 = arith.addf %add3A_419, %mul3A_425 : vector<4x4096xf32>
    %get3A_427 = arith.constant 0 : index
    %get3A_428 = arith.constant 60 : index
    %get3A_429 = memref.load %arg1[%get3A_427, %get3A_428] : memref<1x65xf32, #tpu.memory_space<smem>>
    %slice3A_430 = vector.extract_strided_slice %concatenate3A {offsets = [0, 3], sizes = [4, 4096], strides = [1, 1]} : vector<4x4160xf32> to vector<4x4096xf32>
    %mul3A_431 = vector.broadcast %get3A_429 : f32 to vector<4x4096xf32>
    %mul3A_432 = arith.mulf %mul3A_431, %slice3A_430 : vector<4x4096xf32>
    %add3A_433 = arith.addf %add3A_426, %mul3A_432 : vector<4x4096xf32>
    %get3A_434 = arith.constant 0 : index
    %get3A_435 = arith.constant 61 : index
    %get3A_436 = memref.load %arg1[%get3A_434, %get3A_435] : memref<1x65xf32, #tpu.memory_space<smem>>
    %slice3A_437 = vector.extract_strided_slice %concatenate3A {offsets = [0, 2], sizes = [4, 4096], strides = [1, 1]} : vector<4x4160xf32> to vector<4x4096xf32>
    %mul3A_438 = vector.broadcast %get3A_436 : f32 to vector<4x4096xf32>
    %mul3A_439 = arith.mulf %mul3A_438, %slice3A_437 : vector<4x4096xf32>
    %add3A_440 = arith.addf %add3A_433, %mul3A_439 : vector<4x4096xf32>
    %get3A_441 = arith.constant 0 : index
    %get3A_442 = arith.constant 62 : index
    %get3A_443 = memref.load %arg1[%get3A_441, %get3A_442] : memref<1x65xf32, #tpu.memory_space<smem>>
    %slice3A_444 = vector.extract_strided_slice %concatenate3A {offsets = [0, 1], sizes = [4, 4096], strides = [1, 1]} : vector<4x4160xf32> to vector<4x4096xf32>
    %mul3A_445 = vector.broadcast %get3A_443 : f32 to vector<4x4096xf32>
    %mul3A_446 = arith.mulf %mul3A_445, %slice3A_444 : vector<4x4096xf32>
    %add3A_447 = arith.addf %add3A_440, %mul3A_446 : vector<4x4096xf32>
    %get3A_448 = arith.constant 0 : index
    %get3A_449 = arith.constant 63 : index
    %get3A_450 = memref.load %arg1[%get3A_448, %get3A_449] : memref<1x65xf32, #tpu.memory_space<smem>>
    %slice3A_451 = vector.extract_strided_slice %concatenate3A {offsets = [0, 0], sizes = [4, 4096], strides = [1, 1]} : vector<4x4160xf32> to vector<4x4096xf32>
    %mul3A_452 = vector.broadcast %get3A_450 : f32 to vector<4x4096xf32>
    %mul3A_453 = arith.mulf %mul3A_452, %slice3A_451 : vector<4x4096xf32>
    %add3A_454 = arith.addf %add3A_447, %mul3A_453 : vector<4x4096xf32>
    %broadcast_in_dim3A_455 = vector.shape_cast %add3A_454 : vector<4x4096xf32> to vector<4x1x4096xf32>
    %swap3A = arith.constant 0 : index
    %swap3A_456 = arith.constant 0 : index
    %swap3A_457 = arith.constant 0 : index
    %swap3A_458 = vector.load %arg2[%swap3A, %swap3A_456, %swap3A_457] : memref<4x1x4096xf32, #tpu.memory_space<vmem>>, vector<4x1x4096xf32>
    tpu.vector_store %arg2[%swap3A, %swap3A_456, %swap3A_457], %broadcast_in_dim3A_455 {strides = array<i32>} : memref<4x1x4096xf32, #tpu.memory_space<vmem>>, vector<4x1x4096xf32>,
    return
  }
}

</mosaic_0001>

<sc_bundles>
// kernel: kernel.5.cloned.1.call-start
scs
__scs_entry_jumppad:
0x0: {  	(pc) =	sbr.rel $0x88, $3  }
0x1: {  	(tag) =	ssettag $0x0;
	lr =	simm.s32 $0x1  }
0x2: {  	[smem:$0x3F9E] =	sst lr;
	_ =	strace $0xD0000000  }
0x3: {  	_ = 	snop  }
0x4: {  	_ = 	snop  }
0x5: {  	_ = 	snop  }
0x6: {  	_ = 	snop  }
0x7: {  	_ = 	snop  }
__scs_overlays_trampoline_lowered:
0x8: {  	[smem:$0x3FAD] =	sst s0  }
0x9: {  	[smem:$0x3FAE] =	sst s1  }
0xa: {  	[smem:$0x3FAF] =	sst s2  }
0xb: {  	[smem:$0x3FB0] =	sst s3  }
0xc: {  	[smem:$0x3FB1] =	sst s4  }
0xd: {  	[smem:$0x3FB2] =	sst s5  }
0xe: {  	[smem:$0x3FB3] =	sst s6  }
0xf: {  	[smem:$0x3FB4] =	sst s7  }
0x10: {  	[smem:$0x3FB5] =	sst s8  }
0x11: {  	[smem:$0x3FB6] =	sst s9;
	s0 =	simm.s32 @!p0 $0x0  }
0x12: {  	s1 =	sld [smem:$0x3F9C];
	s0 =	simm.s32 @p0 $0x1  }
0x13: {  	[smem:$0x3FB7] =	sst s0;
	s0 =	simm.s32 @!p1 $0x0  }
0x14: {  	s2 =	sld [smem:$0x3F9B];
	s0 =	simm.s32 @p1 $0x1  }
0x15: {  	[smem:$0x3FB8] =	sst s0;
	s0 =	simm.s32 @!p2 $0x0  }
0x16: {  	s3 =	sld [smem:$0x3FDB];
	s0 =	simm.s32 @p2 $0x1  }
0x17: {  	s4 =	simm.s32 $0x1BF5;
	[smem:$0x3FBA] =	sst s0  }
0x18: {  	s0 =	sld [smem:$0x3F9D];
	_ =	swait.ge [sflag:s4], $0x0  }
0x19: {  	s7 =	sld [smem:$0x3F9E]  }
0x1a: {  	s8 =	sadd.s32 $0xFFFFE003, lr  }
0x1b: {  	s9 =	sadd.s32 $0xFFFFFEF7, lr;
	s5 =	simm.s32 $0xFFFFFFFF;
	p2 =	slt.u32 s8, $0xFFFFF086  }
0x1c: {  	p1 =	slt.u32 s9, $0xF7A;
	s5 =	simm.s32 @!p2 $0x0  }
0x1d: {  	s5 =	simm.s32 @p1 $0x1;
	p0 =	seq.s32 s7, s2  }
0x1e: {  	s7 =	smul.u32 @!p0 $0xF7A, s2;
	p2 =	seq.s32 @!p0 s5, $0x0  }
0x1f: {  	s9 =	smul.u32 $0xF7A, s1;
	s8 =	simm.s32 @!p0 $0x1BF5;
	p2 =	por !p2, p0  }
0x20: {  	[sflag:s8] =	ssyncset.s32 @!p0 $0xFFFFF086;
	s6 =	sadd.s32 @!p0 s3, s7;
	s7 =	simm.s32 @!p0 $0x108  }
0x21: {  	s3 =	sadd.s32 s3, s9;
	s6 =	sadd.s32 @!p0 $0x88, s6;
	s7 =	simm.s32 @p2 $0x1082  }
0x22: {  	[simem:s7], [sflag:s8] =	dma.local @!p0 [hbm:s6], $0xF7A  }
0x23: {  	s9 =	sor.u32 $0xD0000000, s2;
	s6 =	simm.s32 $0x108;
	_ =	swait.ge @!p0 [sflag:s8], $0x0  }
0x24: {  	s3 =	sadd.s32 $0x88, s3;
	s6 =	simm.s32 @!p1 $0x1082;
	[sflag:s4] =	ssyncset.s32 $0xFFFFF086  }
0x25: {  	[simem:s6], [sflag:s4] =	dma.local [hbm:s3], $0xF7A  }
0x26: {  	[smem:$0x3F9E] =	sst s1;
	(tag) =	ssettag s2;
	_ =	strace s9  }
0x27: {  	s1 =	sld [smem:$0x3FAE]  }
0x28: {  	s2 =	sld [smem:$0x3FAF]  }
0x29: {  	s4 =	sld [smem:$0x3FB1]  }
0x2a: {  	p0 =	seq.s32 s5, $0x0;
	s5 =	sld [smem:$0x3FB2]  }
0x2b: {  	s6 =	sld [smem:$0x3FB3]  }
0x2c: {  	s7 =	sld [smem:$0x3FB4]  }
0x2d: {  	s3 =	simm.s32 $0x108;
	s8 =	sld [smem:$0x3FB5]  }
0x2e: {  	s3 =	simm.s32 @!p0 $0x1082;
	s9 =	sld [smem:$0x3FB6]  }
0x2f: {  	lr =	sadd.s32 s0, s3;
	s0 =	sld [smem:$0x3FAD]  }
0x30: {  	s3 =	sld [smem:$0x3FB0]  }
0x31: {  	[smem:$0x3FB9] =	sst s10  }
0x32: {  	s10 =	sld [smem:$0x3FB7];
	_ =	sdelay $0x3  }
0x33: {  	p0 =	seq.s32 s10, $0x1;
	s10 =	sld [smem:$0x3FB9];
	_ =	sdelay $0x3  }
0x34: {  	[smem:$0x3FB9] =	sst s10  }
0x35: {  	s10 =	sld [smem:$0x3FB8];
	_ =	sdelay $0x3  }
0x36: {  	p1 =	seq.s32 s10, $0x1;
	s10 =	sld [smem:$0x3FB9];
	_ =	sdelay $0x3  }
0x37: {  	[smem:$0x3FB9] =	sst s10  }
0x38: {  	s10 =	sld [smem:$0x3FBA]  }
0x39: {  	_ = 	snop;
	(pc) =	sbr.ind lr, $3  }
0x3a: {  	_ = 	snop  }
0x3b: {  	_ = 	snop  }
0x3c: {  	p2 =	seq.s32 s10, $0x1;
	s10 =	sld [smem:$0x3FB9]  }
0x3d: {  	_ =	shalt  }
0x3e: {  	_ =	shalt  }
0x3f: {  	_ =	shalt  }
0x40: {  	_ =	shalt  }
0x41: {  	_ =	shalt  }
0x42: {  	_ =	shalt  }
0x43: {  	_ =	shalt  }
0x44: {  	_ =	shalt  }
0x45: {  	_ =	shalt  }
0x46: {  	_ =	shalt  }
0x47: {  	_ =	shalt  }
0x48: {  	_ =	shalt  }
0x49: {  	_ =	shalt  }
0x4a: {  	_ =	shalt  }
0x4b: {  	_ =	shalt  }
0x4c: {  	_ =	shalt  }
0x4d: {  	_ =	shalt  }
0x4e: {  	_ =	shalt  }
0x4f: {  	_ =	shalt  }
0x50: {  	_ =	shalt  }
0x51: {  	_ =	shalt  }
0x52: {  	_ =	shalt  }
0x53: {  	_ =	shalt  }
0x54: {  	_ =	shalt  }
0x55: {  	_ =	shalt  }
0x56: {  	_ =	shalt  }
0x57: {  	_ =	shalt  }
0x58: {  	_ =	shalt  }
0x59: {  	_ =	shalt  }
0x5a: {  	_ =	shalt  }
0x5b: {  	_ =	shalt  }
0x5c: {  	_ =	shalt  }
0x5d: {  	_ =	shalt  }
0x5e: {  	_ =	shalt  }
0x5f: {  	_ =	shalt  }
0x60: {  	_ =	shalt  }
0x61: {  	_ =	shalt  }
0x62: {  	_ =	shalt  }
0x63: {  	_ =	shalt  }
0x64: {  	_ =	shalt  }
0x65: {  	_ =	shalt  }
0x66: {  	_ =	shalt  }
0x67: {  	_ =	shalt  }
0x68: {  	_ =	shalt  }
0x69: {  	_ =	shalt  }
0x6a: {  	_ =	shalt  }
0x6b: {  	_ =	shalt  }
0x6c: {  	_ =	shalt  }
0x6d: {  	_ =	shalt  }
0x6e: {  	_ =	shalt  }
0x6f: {  	_ =	shalt  }
0x70: {  	_ =	shalt  }
0x71: {  	_ =	shalt  }
0x72: {  	_ =	shalt  }
0x73: {  	_ =	shalt  }
0x74: {  	_ =	shalt  }
0x75: {  	_ =	shalt  }
0x76: {  	_ =	shalt  }
0x77: {  	_ =	shalt  }
0x78: {  	_ =	shalt  }
0x79: {  	_ =	shalt  }
0x7a: {  	_ =	shalt  }
0x7b: {  	_ =	shalt  }
0x7c: {  	_ =	shalt  }
0x7d: {  	_ =	shalt  }
0x7e: {  	_ =	shalt  }
0x7f: {  	_ =	shalt  }
0x80: {  	_ =	shalt  }
0x81: {  	_ =	shalt  }
0x82: {  	_ =	shalt  }
0x83: {  	_ =	shalt  }
0x84: {  	_ =	shalt  }
0x85: {  	_ =	shalt  }
0x86: {  	_ =	shalt  }
0x87: {  	_ =	shalt  }
.Lfunc_end0:
.L_simem_size_0:
called_computation_lowered:
.L_overlay_start_0:
0x88: {  	s2 =	sld [smem:$0x3FD9]  }
0x89: {  	s3 =	sld [smem:$0x3FFE];
	_ =	sdelay $0x1  }
0x8a: {  	s1 =	srdreg.scid  }
0x8b: {  	s0 =	sand.u32 $0x1, s1  }
0x8c: {  	s17 =	sshll.u32 s0, $0xA;
	s2 =	sadd.s32 s3, s2  }
0x8d: {  	s2 =	sadd.s32 s2, s17  }
0x8e: {  	[smem:$0x3FC5] =	sst s2  }
0x8f: {  	_ = 	snop  }
0x90: {  	s2 =	sld [smem:$0x3FC9]  }
0x91: {  	s18 =	sld [smem:$0x3FD0];
	(tm) =	ssettm $0x1  }
0x92: {  	s4 =	sld [smem:$0x3FFB];
	_ =	sdelay $0x3  }
0x93: {  	_ =	strace s4  }
0x94: {  	s4 =	sld [smem:$0x3FFC];
	_ =	sdelay $0x3  }
0x95: {  	_ =	strace s4  }
0x96: {  	s4 =	sld [smem:$0x3FFD];
	_ =	sdelay $0x3  }
0x97: {  	_ =	strace s4  }
0x98: {  	_ =	strace $0x8FFFFFFF  }
0x99: {  	s19 =	sld [smem:$0x3FDB];
	_ =	sdelay $0x1  }
0x9a: {  	s5 =	simm.s32 $_scs_section_size  }
0x9b: {  	s6 =	simm.s32 $_size__tile_overlayer_lowered;
	s7 =	simm.s32 $_tile_overlayer_lowered  }
0x9c: {  	s22 =	simm.s32 $0x1BFF;
	s21 =	sshll.u32 s7, $0x1;
	s4 =	sadd.s32 s5, s19  }
0x9d: {  	s8 =	simm.s32 $0x0;
	s20 =	sshll.u32 s6, $0x1;
	s6 =	sadd.s32 s21, s4  }
0x9e: {  	[timem:s8], [sflag:s22] =	dma.local [hbm:s6], s20  }
0x9f: {  	_ =	swait.ge [sflag:s22], s20  }
0xa0: {  	s5 =	ssub.s32 $0x0, s20;
	[sflag:s22] =	ssyncset.done $0x0  }
0xa1: {  	[sflag:s22] =	ssyncadd.s32 s5;
	_ =	sdelay $0x1  }
0xa2: {  	s23 =	simm.s32 $0x1B8B  }
0xa3: {  	_ =	swait.ge [sflag:s23], $0x1  }
0xa4: {  	[sflag:s23] =	ssyncset.done $0x0  }
0xa5: {  	s25 =	simm.s32 $0x1B8E;
	s24 =	sld [smem:$0x3FFE];
	[sflag:s23] =	ssyncadd.s32 $0xFFFFFFFF  }
0xa6: {  	s26 =	simm.s32 $execute0_lowered;
	[smem:$0x3FD2] =	sst s25  }
0xa7: {  	s6 =	sshll.u32 s26, $0x1;
	_ =	strace $0x80000046;
	[dreg:$0x1] =	wrdreg $0xFFFFFFFF  }
0xa8: {  	s28 =	simm.s32 $_size_execute0_lowered;
	s4 =	sadd.s32 s4, s6;
	[dreg:$0x0] =	wrdreg $0x0  }
0xa9: {  	s6 =	sshll.u32 s28, $0x1;
	[dreg:$0x2] =	wrdreg s4  }
0xaa: {  	[dreg:$0x3] =	wrdreg s6  }
0xab: {  	[dreg:$0x4] =	wrdreg $0xC0  }
0xac: {  	_ =	task [dreg:s8], $0x5FFFF  }
0xad: {  	[dreg:$0x1] =	wrdreg $0xFFFFFFFF  }
0xae: {  	[dreg:$0x0] =	wrdreg $0x60  }
0xaf: {  	[dreg:$0x2] =	wrdreg s18  }
0xb0: {  	[dreg:$0x3] =	wrdreg s2  }
0xb1: {  	[dreg:$0x4] =	wrdreg s24  }
0xb2: {  	[dreg:$0x5] =	wrdreg $0x9  }
0xb3: {  	_ =	task.clear_ibuf [dreg:s8], $0x6FFFF;
	_ =	strace $0x90000046  }
0xb4: {  	s29 =	simm.s32 $0x9;
	_ =	strace $0x80000048  }
0xb5: {  	_ =	swait.ge [sflag:s29], $0x1  }
0xb6: {  	[sflag:s29] =	ssyncadd.s32 $0xFFFFFFFF  }
0xb7: {  	_ =	strace $0x90000048  }
0xb8: {  	_ =	sfence  }
0xb9: {  	s30 =	sld [smem:$0x0];
	_ =	sdelay $0x2  }
0xba: {  	s31 =	sshll.u32 s1, $0xD;
	s1 =	sshrl.u32 s1, $0x2  }
0xbb: {  	s3 =	sand.u32 $0x4000, s31;
	s1 =	sadd.s32 s1, s30  }
0xbc: {  	s0 =	sor.u32 s3, s0;
	s1 =	sshll.u32 s1, $0x11  }
0xbd: {  	s0 =	sor.u32 s1, s0  }
0xbe: {  	s0 =	sadd.s32 $0x8F2B, s0  }
0xbf: {  	[sflag:s0] =	ssyncadd.remote.s32 $0x1  }
0xc0: {  	_ =	sfence.sel $0xFFFF  }
0xc1: {  	[dreg:$0x0] =	wrdreg $0xFFFFFFFF;
	(pc) =	sbr.abs _section_cstart, $3  }
0xc2: {  	[dreg:$0x1] =	wrdreg $0xFFFFFFFF  }
0xc3: {  	_ =	task.clear_ibuf [dreg:s8], $0x2FFFF;
	_ =	strace $0x9FFFFFFF  }
0xc4: {  	(tm) =	ssettm $0x7FFFFFFF  }
0xc5: {  	_ =	shalt  }
tec
execute0_lowered:
.L_overlay_start_1:
0x0: {  	(tag) =	ssettag $0x1  }
0x1: {  	s1 =	stileid.u32  }
0x2: {  	p0 =	sgt.u32 s1, $0x1  }
.Ltmp0:
0x3: {  	s5 =	rddreg [dreg:$0x0];
	(pc) =	sbr.rel @p0 .LBB2_5-.Ltmp0, $4  }
0x4: {  	s3 =	rddreg [dreg:$0x1]  }
0x5: {  	s4 =	rddreg [dreg:$0x2];
	s2 =	simm.s32 $0x0  }
0x6: {  	[smem:$0x7FF] =	sst s2  }
0x7: {  	s0 =	rddreg [dreg:$0x3];
	_ =	strace $0x80000047  }
0x8: {  	s6 =	srdreg.scid;
	s7 =	sshll.u32 s1, $0x1  }
0x9: {  	s10 =	simm.s32 $0x1000;
	s11 =	simm.s32 $0x2000;
	s6 =	sand.u32 $0x1, s6  }
0xa: {  	s12 =	simm.s32 $0x0;
	s7 =	sor.u32 s6, s7;
	s6 =	ssub.s32 $0x2, s6  }
0xb: {  	s8 =	sshll.u32 s7, $0x9;
	s7 =	sshll.u32 s7, $0x14;
	s9 =	sshrl.u32 s6, $0x1  }
0xc: {  	s4 =	sadd.s32 s8, s4;
	s3 =	sadd.s32 s3, s7;
	s6 =	ssub.s32 s6, s9  }
0xd: {  	s5 =	sadd.s32 s5, s8;
	s7 =	simm.s32 $0x1;
	s8 =	simm.s32 $0x80  }
0xe: {  	s9 =	simm.s32 $0x400;
	s4 =	sadd.s32 $0xA00, s4;
	s6 =	smax.u32 s6, $0x1  }
.LBB2_2:
0xf: {  	[tilespmem:s2], [sflag:$0x1] =	stream.linear.gather [hbm4b:s5+s2], $0x1000, $0x38;
	[tilespmem:$0x3000] =	vst v63  }
0x10: {  	_ =	swait.ge [sflag:s7], $0x1000  }
0x11: {  	[sflag:s7] =	ssyncset.done $0x0  }
0x12: {  	[sflag:s7] =	ssyncadd.s32 $0xFFFFF000  }
0x13: {  	[tilespmem:s10], [sflag:$0x1] =	stream.strided.gather [hbm4b:s3+s8], $0x1000, s9, s8, $0x38;
	[tilespmem:$0x3000] =	vst v63  }
0x14: {  	_ =	swait.ge [sflag:s7], $0x1000  }
0x15: {  	s13 =	simm.s32 $0xFFFFFFF8;
	[sflag:s7] =	ssyncset.done $0x0  }
0x16: {  	s14 =	simm.s32 $0x40;
	s15 =	simm.s32 $0x1040;
	[sflag:s7] =	ssyncadd.s32 $0xFFFFF000  }
.LBB2_3:
0x17: {  	v0 =	vld [tilespmem:s14+$0xFFFFFFC0];
	_ =	sdelay $0x2  }
0x18: {  	v1 =	vld [tilespmem:s15+$0xFFFFFFC0];
	_ =	sdelay $0x4  }
0x19: {  	[tilespmem:v0+s11+$0x0] =	vst.idx.msk $0xffff, v1  }
0x1a: {  	v0 =	vld [tilespmem:s14+$0xFFFFFFD0];
	_ =	sdelay $0x2  }
0x1b: {  	v1 =	vld [tilespmem:s15+$0xFFFFFFD0];
	_ =	sdelay $0x4  }
0x1c: {  	[tilespmem:v0+s11+$0x0] =	vst.idx.msk $0xffff, v1  }
0x1d: {  	v0 =	vld [tilespmem:s14+$0xFFFFFFE0];
	_ =	sdelay $0x2  }
0x1e: {  	v1 =	vld [tilespmem:s15+$0xFFFFFFE0];
	_ =	sdelay $0x4  }
0x1f: {  	[tilespmem:v0+s11+$0x0] =	vst.idx.msk $0xffff, v1  }
0x20: {  	v0 =	vld [tilespmem:s14+$0xFFFFFFF0];
	_ =	sdelay $0x2  }
0x21: {  	v1 =	vld [tilespmem:s15+$0xFFFFFFF0];
	_ =	sdelay $0x4  }
0x22: {  	[tilespmem:v0+s11+$0x0] =	vst.idx.msk $0xffff, v1  }
0x23: {  	v0 =	vld [tilespmem:s14+$0x0];
	_ =	sdelay $0x2  }
0x24: {  	v1 =	vld [tilespmem:s15+$0x0];
	_ =	sdelay $0x4  }
0x25: {  	[tilespmem:v0+s11+$0x0] =	vst.idx.msk $0xffff, v1  }
0x26: {  	v0 =	vld [tilespmem:s14+$0x10];
	_ =	sdelay $0x2  }
0x27: {  	v1 =	vld [tilespmem:s15+$0x10];
	_ =	sdelay $0x4  }
0x28: {  	[tilespmem:v0+s11+$0x0] =	vst.idx.msk $0xffff, v1  }
0x29: {  	v0 =	vld [tilespmem:s14+$0x20];
	_ =	sdelay $0x2  }
0x2a: {  	v1 =	vld [tilespmem:s15+$0x20];
	_ =	sdelay $0x4  }
0x2b: {  	[tilespmem:v0+s11+$0x0] =	vst.idx.msk $0xffff, v1  }
0x2c: {  	v0 =	vld [tilespmem:s14+$0x30];
	_ =	sdelay $0x1  }
0x2d: {  	s13 =	sadd.s32 $0x8, s13  }
0x2e: {  	p0 =	slt.u32 s13, $0xF8;
	v1 =	vld [tilespmem:s15+$0x30]  }
.Ltmp1:
0x2f: {  	_ = 	snop;
	(pc) =	sbr.rel @p0 .LBB2_3-.Ltmp1, $2  }
0x30: {  	_ =	sdelay $0x2  }
0x31: {  	s14 =	sadd.s32 $0x80, s14;
	s15 =	sadd.s32 $0x80, s15;
	[tilespmem:v0+s11+$0x0] =	vst.idx.msk $0xffff, v1  }
0x32: {  	s12 =	sadd.s32 $0x1, s12  }
0x33: {  	p0 =	sne.s32 s12, s6  }
.Ltmp2:
0x34: {  	_ = 	snop;
	(pc) =	sbr.rel @p0 .LBB2_2-.Ltmp2, $4  }
0x35: {  	[hbm4b:s4+s2] =	stream.linear.scatter [tilespmem:s11], [sflag:$0x1], $0x1000, $0x38;
	[tilespmem:$0x3000] =	vst v63  }
0x36: {  	_ =	swait.ge [sflag:s7], $0x1000  }
0x37: {  	[sflag:s7] =	ssyncset.done $0x0  }
0x38: {  	[sflag:s7] =	ssyncadd.s32 $0xFFFFF000  }
.LBB2_5:
0x39: {  	_ =	sfence.sel $0x180000  }
0x3a: {  	[bflag:$0x0] =	sbarrier.arrive $0xFFFF  }
0x3b: {  	p0 =	sne.s32 s1, $0x0;
	_ =	strace $0x90000047  }
0x3c: {  	s0 =	sadd.s32 @!p0 $0x100000, s0;
	[bflag:$0x2] =	sbarrier.arrive $0xFFFF  }
0x3d: {  	[sflag:s0] =	ssyncadd.tile.s32 @!p0 $0x1;
	_ =	shalt  }
.Lfunc_end2:
_tile_overlayer_lowered:
.L_overlay_start_2:
0x3e: {  	(tag) =	ssettag $0x2  }
0x3f: {  	s0 =	rddreg [dreg:$0x0];
	s2 =	stileid.u32  }
0x40: {  	s1 =	rddreg [dreg:$0x1];
	p0 =	sne.s32 s2, $0x0  }
0x41: {  	s3 =	rddreg [dreg:$0x2];
	[bflag:$0x3] =	sbarrier.arrive $0xFFFF;
	s2 =	simm.s32 @!p0 $0x1C01  }
0x42: {  	[timem:s3], [sflag:s2] =	dma.local @!p0 [hbm:s0], s1  }
0x43: {  	s0 =	simm.s32 @!p0 $0x1  }
0x44: {  	_ =	swait.ge @!p0 [sflag:s0], s1  }
0x45: {  	s1 =	ssub.s32 @!p0 $0x0, s1;
	[sflag:s0] =	ssyncset.done @!p0 $0x0  }
0x46: {  	[sflag:s0] =	ssyncadd.s32 @!p0 s1  }
0x47: {  	[bflag:$0x3] =	sbarrier.arrive $0xFFFF  }
0x48: {  	_ =	shalt  }

</sc_bundles>
